<compile_context>
chip_gen: v7x
topology: tpu7x:2x2x1
jax: 0.10.2.dev20260603
libtpu: 0.0.44.dev20260713+nightly
codegen_flags: <defaults>
</compile_context>

<pallas_src>
import functools

import jax
import jax.numpy as jnp
from jax import lax
from jax.experimental import pallas as pl
from jax.experimental.pallas import tpu as pltpu
from jax.experimental.pallas import tpu_sc as plsc

NC = 2
NS = 16
NW = NC * NS
LANES = 16
NSLOT = 32


def _sc_scores(u_table, v_table, pos_u, pos_v, neg_v_flat, B, D, NNEG):
    BPW = B // NW
    CHUNK = 32
    NCHUNK = BPW // CHUNK
    NIDX = CHUNK * NNEG

    mesh = plsc.VectorSubcoreMesh(core_axis_name="c", subcore_axis_name="s")

    @functools.partial(
        pl.kernel,
        out_type=jax.ShapeDtypeStruct((B * NSLOT,), jnp.float32),
        mesh=mesh,
        scratch_types=[
            pltpu.VMEM((BPW,), jnp.int32),
            pltpu.VMEM((BPW,), jnp.int32),
            pltpu.VMEM((BPW * NNEG,), jnp.int32),
            [pltpu.VMEM((CHUNK, D), jnp.float32) for _ in range(2)],
            [pltpu.VMEM((CHUNK, D), jnp.float32) for _ in range(2)],
            [pltpu.VMEM((NIDX, D), jnp.float32) for _ in range(2)],
            pltpu.VMEM((CHUNK * NSLOT,), jnp.float32),
            [pltpu.SemaphoreType.DMA for _ in range(2)],
            [pltpu.SemaphoreType.DMA for _ in range(2)],
            [pltpu.SemaphoreType.DMA for _ in range(2)],
        ],
        compiler_params=pltpu.CompilerParams(
            needs_layout_passes=False, use_tc_tiling_on_sc=False),
    )
    def sc_kernel(u_hbm, v_hbm, pu_hbm, pv_hbm, nv_hbm, s_out,
                  uidx, pidx, nidx, urows, prows, nrows, sbuf,
                  sem_u, sem_p, sem_n):
        wid = lax.axis_index("s") * NC + lax.axis_index("c")
        base = wid * BPW

        cu = pltpu.async_copy(pu_hbm.at[pl.ds(base, BPW)], uidx, sem_u[0])
        cp = pltpu.async_copy(pv_hbm.at[pl.ds(base, BPW)], pidx, sem_p[0])
        cn = pltpu.async_copy(
            nv_hbm.at[pl.ds(base * NNEG, BPW * NNEG)], nidx, sem_n[0])
        cu.wait()
        cp.wait()
        cn.wait()

        def issue(c, b):
            pltpu.async_copy(
                u_hbm.at[uidx.at[pl.ds(c * CHUNK, CHUNK)]], urows[b], sem_u[b])
            pltpu.async_copy(
                v_hbm.at[pidx.at[pl.ds(c * CHUNK, CHUNK)]], prows[b], sem_p[b])
            pltpu.async_copy(
                v_hbm.at[nidx.at[pl.ds(c * NIDX, NIDX)]], nrows[b], sem_n[b])

        def wait(c, b):
            pltpu.make_async_copy(
                u_hbm.at[uidx.at[pl.ds(c * CHUNK, CHUNK)]], urows[b],
                sem_u[b]).wait()
            pltpu.make_async_copy(
                v_hbm.at[pidx.at[pl.ds(c * CHUNK, CHUNK)]], prows[b],
                sem_p[b]).wait()
            pltpu.make_async_copy(
                v_hbm.at[nidx.at[pl.ds(c * NIDX, NIDX)]], nrows[b],
                sem_n[b]).wait()

        lane_iota = jax.lax.iota(jnp.int32, LANES)
        nk = D // LANES

        def compute(c, b):
            cb = base + c * CHUNK

            def b_body(b2, carry):
                u = [urows[b][b2, pl.ds(k * LANES, LANES)] for k in range(nk)]

                def dot(rows, r):
                    t = u[0] * rows[r, pl.ds(0, LANES)]
                    for k in range(1, nk):
                        t = t + u[k] * rows[r, pl.ds(k * LANES, LANES)]
                    return jnp.sum(t)

                acc = [jnp.zeros((LANES,), jnp.float32) for _ in range(2)]

                def put(jj, s):
                    h, l = divmod(jj, LANES)
                    acc[h] = jnp.where(lane_iota == l,
                                       jnp.full((LANES,), s, jnp.float32),
                                       acc[h])

                put(0, dot(prows[b], b2))
                for j in range(NNEG):
                    put(1 + j, dot(nrows[b], b2 * NNEG + j))
                sbuf[pl.ds(b2 * NSLOT, LANES)] = acc[0]
                sbuf[pl.ds(b2 * NSLOT + LANES, LANES)] = acc[1]
                return carry

            lax.fori_loop(0, CHUNK, b_body, 0)
            pltpu.sync_copy(sbuf, s_out.at[pl.ds(cb * NSLOT, CHUNK * NSLOT)])

        issue(0, 0)

        def pair_body(i, carry):
            c0 = 2 * i
            c1 = 2 * i + 1
            issue(c1, 1)
            wait(c0, 0)
            compute(c0, 0)
            c2 = jnp.minimum(c1 + 1, NCHUNK - 1)
            issue(c2, 0)
            wait(c1, 1)
            compute(c1, 1)
            return carry

        lax.fori_loop(0, NCHUNK // 2, pair_body, 0)
        wait(NCHUNK - 1, 0)

    return sc_kernel(u_table, v_table, pos_u, pos_v, neg_v_flat)


def _tc_loss(scores, B, NNEG):
    def body(s_ref, out_ref):
        s = s_ref[...]
        col = lax.broadcasted_iota(jnp.int32, s.shape, 1)
        sign = jnp.where(col == 0, 1.0, -1.0).astype(jnp.float32)
        mask = (col <= NNEG).astype(jnp.float32)
        total = jnp.sum(mask * jax.nn.log_sigmoid(sign * s))
        out_ref[...] = jnp.reshape(-total / B, (1, 1))

    out = pl.pallas_call(
        body,
        out_shape=jax.ShapeDtypeStruct((1, 1), jnp.float32),
    )(scores)
    return out[0, 0]


def kernel(u_table, v_table, pos_u, pos_v, neg_v):
    B = pos_u.shape[0]
    D = u_table.shape[1]
    NNEG = neg_v.shape[1]
    pos_u = pos_u.astype(jnp.int32)
    pos_v = pos_v.astype(jnp.int32)
    neg_v_flat = neg_v.astype(jnp.int32).reshape(B * NNEG)
    scores = _sc_scores(
        u_table, v_table, pos_u, pos_v, neg_v_flat, B, D, NNEG)
    return _tc_loss(scores.reshape(B, NSLOT), B, NNEG)

# --- scband reference (transcript-rebuilt; emitter-appended) ---
"""Pipeline reference for scband-skip-gram-45363444580473 (READ-ONLY COPY).

The authoritative reference and input builder live on the scoring server;
editing this copy changes nothing except your own understanding.
"""

import jax, jax.numpy as jnp
import numpy as np

VOCAB = 1000000
DIM = 64
B = 16384
NNEG = 20

def setup_inputs(seed: int = 0) -> dict:
    key = jax.random.key(seed)
    k1, k2, k3, k4 = jax.random.split(key, 4)
    initrange = 0.5 / DIM
    u_table = jax.random.uniform(k4, (VOCAB, DIM), dtype=jnp.float32, minval=-initrange, maxval=initrange)
    # v_embeddings initialized to zero in torch; use small random values so gradients flow nontrivially
    v_table = jnp.zeros((VOCAB, DIM), dtype=jnp.float32)
    pos_u = jax.random.randint(k1, (B,), 0, VOCAB, dtype=jnp.int64 if jax.config.jax_enable_x64 else jnp.int32)
    pos_v = jax.random.randint(k2, (B,), 0, VOCAB, dtype=jnp.int64 if jax.config.jax_enable_x64 else jnp.int32)
    neg_v = jax.random.randint(k3, (B, NNEG), 0, VOCAB, dtype=jnp.int64 if jax.config.jax_enable_x64 else jnp.int32)
    return {"u_table": u_table, "v_table": v_table, "pos_u": pos_u, "pos_v": pos_v, "neg_v": neg_v}


def reference(u_table, v_table, pos_u, pos_v, neg_v):
    embed_u = jnp.take(u_table, pos_u, axis=0)              # [B, D]
    embed_v = jnp.take(v_table, pos_v, axis=0)              # [B, D]
    neg_embed_v = jnp.take(v_table, neg_v, axis=0)          # [B, NNEG, D]
    score = jnp.sum(embed_u * embed_v, axis=1)              # [B]
    log_target = jax.nn.log_sigmoid(score)                  # [B]
    # bmm(neg_embed_v [B,NNEG,D], embed_u[:, :, None] [B,D,1]) -> [B,NNEG,1] -> squeeze
    neg_score = jnp.einsum('bnd,bd->bn', neg_embed_v, embed_u)  # [B, NNEG]
    sum_log_sampled = jnp.sum(jax.nn.log_sigmoid(-1.0 * neg_score), axis=1)  # [B]
    loss = -(log_target + sum_log_sampled)
    return jnp.mean(loss)

if __name__ == "__main__":
    import jax
    _d = setup_inputs()
    print(jax.jit(kernel)(*tuple(_d.values())))

</pallas_src>

<mosaic_0001>
#map = affine_map<(d0, d1) -> (0, 0)>
#map1 = affine_map<(d0, d1) -> (0)>
module attributes {stable_mosaic.version = 14 : i64} {
  func.func @sc_kernel(%arg0: i32, %arg1: i32, %arg2: memref<1000000x64xf32, #tpu.memory_space<hbm>>, %arg3: memref<1000000x64xf32, #tpu.memory_space<hbm>>, %arg4: memref<16384xi32, #tpu.memory_space<hbm>>, %arg5: memref<16384xi32, #tpu.memory_space<hbm>>, %arg6: memref<327680xi32, #tpu.memory_space<hbm>>, %arg7: memref<524288xf32, #tpu.memory_space<hbm>>, %arg8: memref<512xi32, #tpu.memory_space<vmem>>, %arg9: memref<512xi32, #tpu.memory_space<vmem>>, %arg10: memref<10240xi32, #tpu.memory_space<vmem>>, %arg11: memref<32x64xf32, #tpu.memory_space<vmem>>, %arg12: memref<32x64xf32, #tpu.memory_space<vmem>>, %arg13: memref<32x64xf32, #tpu.memory_space<vmem>>, %arg14: memref<32x64xf32, #tpu.memory_space<vmem>>, %arg15: memref<640x64xf32, #tpu.memory_space<vmem>>, %arg16: memref<640x64xf32, #tpu.memory_space<vmem>>, %arg17: memref<1024xf32, #tpu.memory_space<vmem>>, %arg18: memref<!tpu.dma_semaphore, #tpu.memory_space<semaphore_mem>>, %arg19: memref<!tpu.dma_semaphore, #tpu.memory_space<semaphore_mem>>, %arg20: memref<!tpu.dma_semaphore, #tpu.memory_space<semaphore_mem>>, %arg21: memref<!tpu.dma_semaphore, #tpu.memory_space<semaphore_mem>>, %arg22: memref<!tpu.dma_semaphore, #tpu.memory_space<semaphore_mem>>, %arg23: memref<!tpu.dma_semaphore, #tpu.memory_space<semaphore_mem>>) attributes {dimension_semantics = [#tpu.dimension_semantics<core_parallel>, #tpu.dimension_semantics<subcore_parallel>], iteration_bounds = array<i64: 2, 16>, scalar_prefetch = 0 : i64, scratch_operands = 16 : i64, tpu.core_type = #tpu.core_type<sc_vector_subcore>, window_params = [{transform_indices = #map}, {transform_indices = #map}, {transform_indices = #map1}, {transform_indices = #map1}, {transform_indices = #map1}, {transform_indices = #map1}]} {
    %mul3A = arith.constant 2 : i32
    %mul3A_0 = arith.muli %arg1, %mul3A : i32
    %add3A = arith.addi %mul3A_0, %arg0 : i32
    %mul3A_1 = arith.constant 512 : i32
    %mul3A_2 = arith.muli %add3A, %mul3A_1 : i32
    %dma_start3A = tpu.memref_slice %arg4[%mul3A_2] : memref<16384xi32, #tpu.memory_space<hbm>> -> memref<512xi32, #tpu.memory_space<hbm>>
    %dma_start3A_3 = tpu.memref_slice %arg4[%mul3A_2] : memref<16384xi32, #tpu.memory_space<hbm>> -> memref<512xi32, #tpu.memory_space<hbm>>
    tpu.enqueue_dma source(%dma_start3A_3 : memref<512xi32, #tpu.memory_space<hbm>>) target(%arg8 : memref<512xi32, #tpu.memory_space<vmem>>) target_semaphore(%arg18 : memref<!tpu.dma_semaphore, #tpu.memory_space<semaphore_mem>>)
    %dma_start3A_4 = tpu.memref_slice %arg5[%mul3A_2] : memref<16384xi32, #tpu.memory_space<hbm>> -> memref<512xi32, #tpu.memory_space<hbm>>
    %dma_start3A_5 = tpu.memref_slice %arg5[%mul3A_2] : memref<16384xi32, #tpu.memory_space<hbm>> -> memref<512xi32, #tpu.memory_space<hbm>>
    tpu.enqueue_dma source(%dma_start3A_5 : memref<512xi32, #tpu.memory_space<hbm>>) target(%arg9 : memref<512xi32, #tpu.memory_space<vmem>>) target_semaphore(%arg20 : memref<!tpu.dma_semaphore, #tpu.memory_space<semaphore_mem>>)
    %mul3A_6 = arith.constant 20 : i32
    %mul3A_7 = arith.muli %mul3A_2, %mul3A_6 : i32
    %dma_start3A_8 = tpu.memref_slice %arg6[%mul3A_7] : memref<327680xi32, #tpu.memory_space<hbm>> -> memref<10240xi32, #tpu.memory_space<hbm>>
    %dma_start3A_9 = tpu.memref_slice %arg6[%mul3A_7] : memref<327680xi32, #tpu.memory_space<hbm>> -> memref<10240xi32, #tpu.memory_space<hbm>>
    tpu.enqueue_dma source(%dma_start3A_9 : memref<10240xi32, #tpu.memory_space<hbm>>) target(%arg10 : memref<10240xi32, #tpu.memory_space<vmem>>) target_semaphore(%arg22 : memref<!tpu.dma_semaphore, #tpu.memory_space<semaphore_mem>>)
    %dma_wait3A = tpu.memref_slice %arg4[%mul3A_2] : memref<16384xi32, #tpu.memory_space<hbm>> -> memref<512xi32, #tpu.memory_space<hbm>>
    %dma_wait3A_10 = tpu.memref_slice %arg4[%mul3A_2] : memref<16384xi32, #tpu.memory_space<hbm>> -> memref<512xi32, #tpu.memory_space<hbm>>
    tpu.wait_dma2 semaphore(%arg18 : memref<!tpu.dma_semaphore, #tpu.memory_space<semaphore_mem>>) src(%dma_wait3A_10 : memref<512xi32, #tpu.memory_space<hbm>>) dst(%arg8 : memref<512xi32, #tpu.memory_space<vmem>>)
    %dma_wait3A_11 = tpu.memref_slice %arg5[%mul3A_2] : memref<16384xi32, #tpu.memory_space<hbm>> -> memref<512xi32, #tpu.memory_space<hbm>>
    %dma_wait3A_12 = tpu.memref_slice %arg5[%mul3A_2] : memref<16384xi32, #tpu.memory_space<hbm>> -> memref<512xi32, #tpu.memory_space<hbm>>
    tpu.wait_dma2 semaphore(%arg20 : memref<!tpu.dma_semaphore, #tpu.memory_space<semaphore_mem>>) src(%dma_wait3A_12 : memref<512xi32, #tpu.memory_space<hbm>>) dst(%arg9 : memref<512xi32, #tpu.memory_space<vmem>>)
    %dma_wait3A_13 = tpu.memref_slice %arg6[%mul3A_7] : memref<327680xi32, #tpu.memory_space<hbm>> -> memref<10240xi32, #tpu.memory_space<hbm>>
    %dma_wait3A_14 = tpu.memref_slice %arg6[%mul3A_7] : memref<327680xi32, #tpu.memory_space<hbm>> -> memref<10240xi32, #tpu.memory_space<hbm>>
    tpu.wait_dma2 semaphore(%arg22 : memref<!tpu.dma_semaphore, #tpu.memory_space<semaphore_mem>>) src(%dma_wait3A_14 : memref<10240xi32, #tpu.memory_space<hbm>>) dst(%arg10 : memref<10240xi32, #tpu.memory_space<vmem>>)
    %iota3A = tpu.iota {dimensions = array<i32: 0>} : vector<16xi32>
    %dma_start3A_15 = arith.constant 0 : i32
    %dma_start3A_16 = tpu.memref_slice %arg8[%dma_start3A_15] : memref<512xi32, #tpu.memory_space<vmem>> -> memref<32xi32, #tpu.memory_space<vmem>>
    %dma_start3A_17 = arith.constant 0 : i32
    %dma_start3A_18 = arith.constant 0 : i32
    %dma_start3A_19 = tpu.memref_slice %arg2[%dma_start3A_17, %dma_start3A_18] : memref<1000000x64xf32, #tpu.memory_space<hbm>> -> memref<1000000x64xf32, #tpu.memory_space<hbm>>
    tpu.enqueue_indirect_dma source(%dma_start3A_19 : memref<1000000x64xf32, #tpu.memory_space<hbm>>) target(%arg11 : memref<32x64xf32, #tpu.memory_space<vmem>>) offsets(%dma_start3A_16 : memref<32xi32, #tpu.memory_space<vmem>>) semaphore(%arg18 : memref<!tpu.dma_semaphore, #tpu.memory_space<semaphore_mem>>)
    %dma_start3A_20 = arith.constant 0 : i32
    %dma_start3A_21 = tpu.memref_slice %arg9[%dma_start3A_20] : memref<512xi32, #tpu.memory_space<vmem>> -> memref<32xi32, #tpu.memory_space<vmem>>
    %dma_start3A_22 = arith.constant 0 : i32
    %dma_start3A_23 = arith.constant 0 : i32
    %dma_start3A_24 = tpu.memref_slice %arg3[%dma_start3A_22, %dma_start3A_23] : memref<1000000x64xf32, #tpu.memory_space<hbm>> -> memref<1000000x64xf32, #tpu.memory_space<hbm>>
    tpu.enqueue_indirect_dma source(%dma_start3A_24 : memref<1000000x64xf32, #tpu.memory_space<hbm>>) target(%arg13 : memref<32x64xf32, #tpu.memory_space<vmem>>) offsets(%dma_start3A_21 : memref<32xi32, #tpu.memory_space<vmem>>) semaphore(%arg20 : memref<!tpu.dma_semaphore, #tpu.memory_space<semaphore_mem>>)
    %dma_start3A_25 = arith.constant 0 : i32
    %dma_start3A_26 = tpu.memref_slice %arg10[%dma_start3A_25] : memref<10240xi32, #tpu.memory_space<vmem>> -> memref<640xi32, #tpu.memory_space<vmem>>
    %dma_start3A_27 = arith.constant 0 : i32
    %dma_start3A_28 = arith.constant 0 : i32
    %dma_start3A_29 = tpu.memref_slice %arg3[%dma_start3A_27, %dma_start3A_28] : memref<1000000x64xf32, #tpu.memory_space<hbm>> -> memref<1000000x64xf32, #tpu.memory_space<hbm>>
    tpu.enqueue_indirect_dma source(%dma_start3A_29 : memref<1000000x64xf32, #tpu.memory_space<hbm>>) target(%arg15 : memref<640x64xf32, #tpu.memory_space<vmem>>) offsets(%dma_start3A_26 : memref<640xi32, #tpu.memory_space<vmem>>) semaphore(%arg22 : memref<!tpu.dma_semaphore, #tpu.memory_space<semaphore_mem>>)
    %scan3A = arith.constant 0 : i32
    %scan3A_30 = arith.constant 0 : i32
    %scan3A_31 = arith.constant 8 : i32
    %scan3A_32 = arith.addi %scan3A_30, %scan3A_31 : i32
    %scan3A_33 = arith.constant 1 : i32
    scf.for %scan3A_50 = %scan3A_30 to %scan3A_32 step %scan3A_33  : i32 {
      %mul3A_51 = arith.constant 2 : i32
      %mul3A_52 = arith.muli %mul3A_51, %scan3A_50 : i32
      %mul3A_53 = arith.constant 2 : i32
      %mul3A_54 = arith.muli %mul3A_53, %scan3A_50 : i32
      %add3A_55 = arith.constant 1 : i32
      %add3A_56 = arith.addi %mul3A_54, %add3A_55 : i32
      %mul3A_57 = arith.constant 32 : i32
      %mul3A_58 = arith.muli %add3A_56, %mul3A_57 : i32
      %dma_start3A_59 = tpu.memref_slice %arg8[%mul3A_58] : memref<512xi32, #tpu.memory_space<vmem>> -> memref<32xi32, #tpu.memory_space<vmem>>
      %dma_start3A_60 = arith.constant 0 : i32
      %dma_start3A_61 = arith.constant 0 : i32
      %dma_start3A_62 = tpu.memref_slice %arg2[%dma_start3A_60, %dma_start3A_61] : memref<1000000x64xf32, #tpu.memory_space<hbm>> -> memref<1000000x64xf32, #tpu.memory_space<hbm>>
      tpu.enqueue_indirect_dma source(%dma_start3A_62 : memref<1000000x64xf32, #tpu.memory_space<hbm>>) target(%arg12 : memref<32x64xf32, #tpu.memory_space<vmem>>) offsets(%dma_start3A_59 : memref<32xi32, #tpu.memory_space<vmem>>) semaphore(%arg19 : memref<!tpu.dma_semaphore, #tpu.memory_space<semaphore_mem>>)
      %mul3A_63 = arith.constant 32 : i32
      %mul3A_64 = arith.muli %add3A_56, %mul3A_63 : i32
      %dma_start3A_65 = tpu.memref_slice %arg9[%mul3A_64] : memref<512xi32, #tpu.memory_space<vmem>> -> memref<32xi32, #tpu.memory_space<vmem>>
      %dma_start3A_66 = arith.constant 0 : i32
      %dma_start3A_67 = arith.constant 0 : i32
      %dma_start3A_68 = tpu.memref_slice %arg3[%dma_start3A_66, %dma_start3A_67] : memref<1000000x64xf32, #tpu.memory_space<hbm>> -> memref<1000000x64xf32, #tpu.memory_space<hbm>>
      tpu.enqueue_indirect_dma source(%dma_start3A_68 : memref<1000000x64xf32, #tpu.memory_space<hbm>>) target(%arg14 : memref<32x64xf32, #tpu.memory_space<vmem>>) offsets(%dma_start3A_65 : memref<32xi32, #tpu.memory_space<vmem>>) semaphore(%arg21 : memref<!tpu.dma_semaphore, #tpu.memory_space<semaphore_mem>>)
      %mul3A_69 = arith.constant 640 : i32
      %mul3A_70 = arith.muli %add3A_56, %mul3A_69 : i32
      %dma_start3A_71 = tpu.memref_slice %arg10[%mul3A_70] : memref<10240xi32, #tpu.memory_space<vmem>> -> memref<640xi32, #tpu.memory_space<vmem>>
      %dma_start3A_72 = arith.constant 0 : i32
      %dma_start3A_73 = arith.constant 0 : i32
      %dma_start3A_74 = tpu.memref_slice %arg3[%dma_start3A_72, %dma_start3A_73] : memref<1000000x64xf32, #tpu.memory_space<hbm>> -> memref<1000000x64xf32, #tpu.memory_space<hbm>>
      tpu.enqueue_indirect_dma source(%dma_start3A_74 : memref<1000000x64xf32, #tpu.memory_space<hbm>>) target(%arg16 : memref<640x64xf32, #tpu.memory_space<vmem>>) offsets(%dma_start3A_71 : memref<640xi32, #tpu.memory_space<vmem>>) semaphore(%arg23 : memref<!tpu.dma_semaphore, #tpu.memory_space<semaphore_mem>>)
      %mul3A_75 = arith.constant 32 : i32
      %mul3A_76 = arith.muli %mul3A_52, %mul3A_75 : i32
      %dma_wait3A_77 = tpu.memref_slice %arg8[%mul3A_76] : memref<512xi32, #tpu.memory_space<vmem>> -> memref<32xi32, #tpu.memory_space<vmem>>
      %dma_wait3A_78 = arith.constant 0 : i32
      %dma_wait3A_79 = arith.constant 0 : i32
      %dma_wait3A_80 = tpu.memref_slice %arg2[%dma_wait3A_78, %dma_wait3A_79] : memref<1000000x64xf32, #tpu.memory_space<hbm>> -> memref<1000000x64xf32, #tpu.memory_space<hbm>>
      tpu.wait_indirect_dma semaphore(%arg18 : memref<!tpu.dma_semaphore, #tpu.memory_space<semaphore_mem>>) src(%dma_wait3A_80 : memref<1000000x64xf32, #tpu.memory_space<hbm>>) dst(%arg11 : memref<32x64xf32, #tpu.memory_space<vmem>>)
      %mul3A_81 = arith.constant 32 : i32
      %mul3A_82 = arith.muli %mul3A_52, %mul3A_81 : i32
      %dma_wait3A_83 = tpu.memref_slice %arg9[%mul3A_82] : memref<512xi32, #tpu.memory_space<vmem>> -> memref<32xi32, #tpu.memory_space<vmem>>
      %dma_wait3A_84 = arith.constant 0 : i32
      %dma_wait3A_85 = arith.constant 0 : i32
      %dma_wait3A_86 = tpu.memref_slice %arg3[%dma_wait3A_84, %dma_wait3A_85] : memref<1000000x64xf32, #tpu.memory_space<hbm>> -> memref<1000000x64xf32, #tpu.memory_space<hbm>>
      tpu.wait_indirect_dma semaphore(%arg20 : memref<!tpu.dma_semaphore, #tpu.memory_space<semaphore_mem>>) src(%dma_wait3A_86 : memref<1000000x64xf32, #tpu.memory_space<hbm>>) dst(%arg13 : memref<32x64xf32, #tpu.memory_space<vmem>>)
      %mul3A_87 = arith.constant 640 : i32
      %mul3A_88 = arith.muli %mul3A_52, %mul3A_87 : i32
      %dma_wait3A_89 = tpu.memref_slice %arg10[%mul3A_88] : memref<10240xi32, #tpu.memory_space<vmem>> -> memref<640xi32, #tpu.memory_space<vmem>>
      %dma_wait3A_90 = arith.constant 0 : i32
      %dma_wait3A_91 = arith.constant 0 : i32
      %dma_wait3A_92 = tpu.memref_slice %arg3[%dma_wait3A_90, %dma_wait3A_91] : memref<1000000x64xf32, #tpu.memory_space<hbm>> -> memref<1000000x64xf32, #tpu.memory_space<hbm>>
      tpu.wait_indirect_dma semaphore(%arg22 : memref<!tpu.dma_semaphore, #tpu.memory_space<semaphore_mem>>) src(%dma_wait3A_92 : memref<1000000x64xf32, #tpu.memory_space<hbm>>) dst(%arg15 : memref<640x64xf32, #tpu.memory_space<vmem>>)
      %mul3A_93 = arith.constant 32 : i32
      %mul3A_94 = arith.muli %mul3A_52, %mul3A_93 : i32
      %add3A_95 = arith.addi %mul3A_2, %mul3A_94 : i32
      %scan3A_96 = arith.constant 0 : i32
      %scan3A_97 = arith.constant 0 : i32
      %scan3A_98 = arith.constant 32 : i32
      %scan3A_99 = arith.addi %scan3A_97, %scan3A_98 : i32
      %scan3A_100 = arith.constant 1 : i32
      scf.for %scan3A_154 = %scan3A_97 to %scan3A_99 step %scan3A_100  : i32 {
        %get3A = arith.index_cast %scan3A_154 : i32 to index
        %get3A_155 = arith.constant 0 : index
        %get3A_156 = tpu.vector_load %arg11[%get3A, %get3A_155] {strides = array<i32>} : memref<32x64xf32, #tpu.memory_space<vmem>>, vector<16xf32>,
        %get3A_157 = arith.index_cast %scan3A_154 : i32 to index
        %get3A_158 = arith.constant 16 : index
        %get3A_159 = tpu.vector_load %arg11[%get3A_157, %get3A_158] {strides = array<i32>} : memref<32x64xf32, #tpu.memory_space<vmem>>, vector<16xf32>,
        %get3A_160 = arith.index_cast %scan3A_154 : i32 to index
        %get3A_161 = arith.constant 32 : index
        %get3A_162 = tpu.vector_load %arg11[%get3A_160, %get3A_161] {strides = array<i32>} : memref<32x64xf32, #tpu.memory_space<vmem>>, vector<16xf32>,
        %get3A_163 = arith.index_cast %scan3A_154 : i32 to index
        %get3A_164 = arith.constant 48 : index
        %get3A_165 = tpu.vector_load %arg11[%get3A_163, %get3A_164] {strides = array<i32>} : memref<32x64xf32, #tpu.memory_space<vmem>>, vector<16xf32>,
        %broadcast_in_dim3A = arith.constant 0.000000e+00 : f32
        %broadcast_in_dim3A_166 = vector.broadcast %broadcast_in_dim3A : f32 to vector<16xf32>
        %broadcast_in_dim3A_167 = arith.constant 0.000000e+00 : f32
        %broadcast_in_dim3A_168 = vector.broadcast %broadcast_in_dim3A_167 : f32 to vector<16xf32>
        %get3A_169 = arith.index_cast %scan3A_154 : i32 to index
        %get3A_170 = arith.constant 0 : index
        %get3A_171 = tpu.vector_load %arg13[%get3A_169, %get3A_170] {strides = array<i32>} : memref<32x64xf32, #tpu.memory_space<vmem>>, vector<16xf32>,
        %mul3A_172 = arith.mulf %get3A_156, %get3A_171 : vector<16xf32>
        %get3A_173 = arith.index_cast %scan3A_154 : i32 to index
        %get3A_174 = arith.constant 16 : index
        %get3A_175 = tpu.vector_load %arg13[%get3A_173, %get3A_174] {strides = array<i32>} : memref<32x64xf32, #tpu.memory_space<vmem>>, vector<16xf32>,
        %mul3A_176 = arith.mulf %get3A_159, %get3A_175 : vector<16xf32>
        %add3A_177 = arith.addf %mul3A_172, %mul3A_176 : vector<16xf32>
        %get3A_178 = arith.index_cast %scan3A_154 : i32 to index
        %get3A_179 = arith.constant 32 : index
        %get3A_180 = tpu.vector_load %arg13[%get3A_178, %get3A_179] {strides = array<i32>} : memref<32x64xf32, #tpu.memory_space<vmem>>, vector<16xf32>,
        %mul3A_181 = arith.mulf %get3A_162, %get3A_180 : vector<16xf32>
        %add3A_182 = arith.addf %add3A_177, %mul3A_181 : vector<16xf32>
        %get3A_183 = arith.index_cast %scan3A_154 : i32 to index
        %get3A_184 = arith.constant 48 : index
        %get3A_185 = tpu.vector_load %arg13[%get3A_183, %get3A_184] {strides = array<i32>} : memref<32x64xf32, #tpu.memory_space<vmem>>, vector<16xf32>,
        %mul3A_186 = arith.mulf %get3A_165, %get3A_185 : vector<16xf32>
        %add3A_187 = arith.addf %add3A_182, %mul3A_186 : vector<16xf32>
        %reduce_sum3A = arith.constant true
        %reduce_sum3A_188 = vector.broadcast %reduce_sum3A : i1 to vector<16xi1>
        %reduce_sum3A_189 = tpu.scan <sum>, %add3A_187 masked %reduce_sum3A_188 : vector<16xf32>, vector<16xi1> -> vector<16xf32>
        %reduce_sum3A_190 = vector.extract %reduce_sum3A_189[15] : f32 from vector<16xf32>
        %eq3A = arith.constant 0 : i32
        %eq3A_191 = vector.broadcast %eq3A : i32 to vector<16xi32>
        %eq3A_192 = arith.cmpi eq, %iota3A, %eq3A_191 : vector<16xi32>
        %broadcast_in_dim3A_193 = vector.broadcast %reduce_sum3A_190 : f32 to vector<16xf32>
        %select_n3A = arith.select %eq3A_192, %broadcast_in_dim3A_193, %broadcast_in_dim3A_166 : vector<16xi1>, vector<16xf32>
        %mul3A_194 = arith.constant 20 : i32
        %mul3A_195 = arith.muli %scan3A_154, %mul3A_194 : i32
        %add3A_196 = arith.constant 0 : i32
        %add3A_197 = arith.addi %mul3A_195, %add3A_196 : i32
        %get3A_198 = arith.index_cast %add3A_197 : i32 to index
        %get3A_199 = arith.constant 0 : index
        %get3A_200 = tpu.vector_load %arg15[%get3A_198, %get3A_199] {strides = array<i32>} : memref<640x64xf32, #tpu.memory_space<vmem>>, vector<16xf32>,
        %mul3A_201 = arith.mulf %get3A_156, %get3A_200 : vector<16xf32>
        %get3A_202 = arith.index_cast %add3A_197 : i32 to index
        %get3A_203 = arith.constant 16 : index
        %get3A_204 = tpu.vector_load %arg15[%get3A_202, %get3A_203] {strides = array<i32>} : memref<640x64xf32, #tpu.memory_space<vmem>>, vector<16xf32>,
        %mul3A_205 = arith.mulf %get3A_159, %get3A_204 : vector<16xf32>
        %add3A_206 = arith.addf %mul3A_201, %mul3A_205 : vector<16xf32>
        %get3A_207 = arith.index_cast %add3A_197 : i32 to index
        %get3A_208 = arith.constant 32 : index
        %get3A_209 = tpu.vector_load %arg15[%get3A_207, %get3A_208] {strides = array<i32>} : memref<640x64xf32, #tpu.memory_space<vmem>>, vector<16xf32>,
        %mul3A_210 = arith.mulf %get3A_162, %get3A_209 : vector<16xf32>
        %add3A_211 = arith.addf %add3A_206, %mul3A_210 : vector<16xf32>
        %get3A_212 = arith.index_cast %add3A_197 : i32 to index
        %get3A_213 = arith.constant 48 : index
        %get3A_214 = tpu.vector_load %arg15[%get3A_212, %get3A_213] {strides = array<i32>} : memref<640x64xf32, #tpu.memory_space<vmem>>, vector<16xf32>,
        %mul3A_215 = arith.mulf %get3A_165, %get3A_214 : vector<16xf32>
        %add3A_216 = arith.addf %add3A_211, %mul3A_215 : vector<16xf32>
        %reduce_sum3A_217 = arith.constant true
        %reduce_sum3A_218 = vector.broadcast %reduce_sum3A_217 : i1 to vector<16xi1>
        %reduce_sum3A_219 = tpu.scan <sum>, %add3A_216 masked %reduce_sum3A_218 : vector<16xf32>, vector<16xi1> -> vector<16xf32>
        %reduce_sum3A_220 = vector.extract %reduce_sum3A_219[15] : f32 from vector<16xf32>
        %eq3A_221 = arith.constant 1 : i32
        %eq3A_222 = vector.broadcast %eq3A_221 : i32 to vector<16xi32>
        %eq3A_223 = arith.cmpi eq, %iota3A, %eq3A_222 : vector<16xi32>
        %broadcast_in_dim3A_224 = vector.broadcast %reduce_sum3A_220 : f32 to vector<16xf32>
        %select_n3A_225 = arith.select %eq3A_223, %broadcast_in_dim3A_224, %select_n3A : vector<16xi1>, vector<16xf32>
        %mul3A_226 = arith.constant 20 : i32
        %mul3A_227 = arith.muli %scan3A_154, %mul3A_226 : i32
        %add3A_228 = arith.constant 1 : i32
        %add3A_229 = arith.addi %mul3A_227, %add3A_228 : i32
        %get3A_230 = arith.index_cast %add3A_229 : i32 to index
        %get3A_231 = arith.constant 0 : index
        %get3A_232 = tpu.vector_load %arg15[%get3A_230, %get3A_231] {strides = array<i32>} : memref<640x64xf32, #tpu.memory_space<vmem>>, vector<16xf32>,
        %mul3A_233 = arith.mulf %get3A_156, %get3A_232 : vector<16xf32>
        %get3A_234 = arith.index_cast %add3A_229 : i32 to index
        %get3A_235 = arith.constant 16 : index
        %get3A_236 = tpu.vector_load %arg15[%get3A_234, %get3A_235] {strides = array<i32>} : memref<640x64xf32, #tpu.memory_space<vmem>>, vector<16xf32>,
        %mul3A_237 = arith.mulf %get3A_159, %get3A_236 : vector<16xf32>
        %add3A_238 = arith.addf %mul3A_233, %mul3A_237 : vector<16xf32>
        %get3A_239 = arith.index_cast %add3A_229 : i32 to index
        %get3A_240 = arith.constant 32 : index
        %get3A_241 = tpu.vector_load %arg15[%get3A_239, %get3A_240] {strides = array<i32>} : memref<640x64xf32, #tpu.memory_space<vmem>>, vector<16xf32>,
        %mul3A_242 = arith.mulf %get3A_162, %get3A_241 : vector<16xf32>
        %add3A_243 = arith.addf %add3A_238, %mul3A_242 : vector<16xf32>
        %get3A_244 = arith.index_cast %add3A_229 : i32 to index
        %get3A_245 = arith.constant 48 : index
        %get3A_246 = tpu.vector_load %arg15[%get3A_244, %get3A_245] {strides = array<i32>} : memref<640x64xf32, #tpu.memory_space<vmem>>, vector<16xf32>,
        %mul3A_247 = arith.mulf %get3A_165, %get3A_246 : vector<16xf32>
        %add3A_248 = arith.addf %add3A_243, %mul3A_247 : vector<16xf32>
        %reduce_sum3A_249 = arith.constant true
        %reduce_sum3A_250 = vector.broadcast %reduce_sum3A_249 : i1 to vector<16xi1>
        %reduce_sum3A_251 = tpu.scan <sum>, %add3A_248 masked %reduce_sum3A_250 : vector<16xf32>, vector<16xi1> -> vector<16xf32>
        %reduce_sum3A_252 = vector.extract %reduce_sum3A_251[15] : f32 from vector<16xf32>
        %eq3A_253 = arith.constant 2 : i32
        %eq3A_254 = vector.broadcast %eq3A_253 : i32 to vector<16xi32>
        %eq3A_255 = arith.cmpi eq, %iota3A, %eq3A_254 : vector<16xi32>
        %broadcast_in_dim3A_256 = vector.broadcast %reduce_sum3A_252 : f32 to vector<16xf32>
        %select_n3A_257 = arith.select %eq3A_255, %broadcast_in_dim3A_256, %select_n3A_225 : vector<16xi1>, vector<16xf32>
        %mul3A_258 = arith.constant 20 : i32
        %mul3A_259 = arith.muli %scan3A_154, %mul3A_258 : i32
        %add3A_260 = arith.constant 2 : i32
        %add3A_261 = arith.addi %mul3A_259, %add3A_260 : i32
        %get3A_262 = arith.index_cast %add3A_261 : i32 to index
        %get3A_263 = arith.constant 0 : index
        %get3A_264 = tpu.vector_load %arg15[%get3A_262, %get3A_263] {strides = array<i32>} : memref<640x64xf32, #tpu.memory_space<vmem>>, vector<16xf32>,
        %mul3A_265 = arith.mulf %get3A_156, %get3A_264 : vector<16xf32>
        %get3A_266 = arith.index_cast %add3A_261 : i32 to index
        %get3A_267 = arith.constant 16 : index
        %get3A_268 = tpu.vector_load %arg15[%get3A_266, %get3A_267] {strides = array<i32>} : memref<640x64xf32, #tpu.memory_space<vmem>>, vector<16xf32>,
        %mul3A_269 = arith.mulf %get3A_159, %get3A_268 : vector<16xf32>
        %add3A_270 = arith.addf %mul3A_265, %mul3A_269 : vector<16xf32>
        %get3A_271 = arith.index_cast %add3A_261 : i32 to index
        %get3A_272 = arith.constant 32 : index
        %get3A_273 = tpu.vector_load %arg15[%get3A_271, %get3A_272] {strides = array<i32>} : memref<640x64xf32, #tpu.memory_space<vmem>>, vector<16xf32>,
        %mul3A_274 = arith.mulf %get3A_162, %get3A_273 : vector<16xf32>
        %add3A_275 = arith.addf %add3A_270, %mul3A_274 : vector<16xf32>
        %get3A_276 = arith.index_cast %add3A_261 : i32 to index
        %get3A_277 = arith.constant 48 : index
        %get3A_278 = tpu.vector_load %arg15[%get3A_276, %get3A_277] {strides = array<i32>} : memref<640x64xf32, #tpu.memory_space<vmem>>, vector<16xf32>,
        %mul3A_279 = arith.mulf %get3A_165, %get3A_278 : vector<16xf32>
        %add3A_280 = arith.addf %add3A_275, %mul3A_279 : vector<16xf32>
        %reduce_sum3A_281 = arith.constant true
        %reduce_sum3A_282 = vector.broadcast %reduce_sum3A_281 : i1 to vector<16xi1>
        %reduce_sum3A_283 = tpu.scan <sum>, %add3A_280 masked %reduce_sum3A_282 : vector<16xf32>, vector<16xi1> -> vector<16xf32>
        %reduce_sum3A_284 = vector.extract %reduce_sum3A_283[15] : f32 from vector<16xf32>
        %eq3A_285 = arith.constant 3 : i32
        %eq3A_286 = vector.broadcast %eq3A_285 : i32 to vector<16xi32>
        %eq3A_287 = arith.cmpi eq, %iota3A, %eq3A_286 : vector<16xi32>
        %broadcast_in_dim3A_288 = vector.broadcast %reduce_sum3A_284 : f32 to vector<16xf32>
        %select_n3A_289 = arith.select %eq3A_287, %broadcast_in_dim3A_288, %select_n3A_257 : vector<16xi1>, vector<16xf32>
        %mul3A_290 = arith.constant 20 : i32
        %mul3A_291 = arith.muli %scan3A_154, %mul3A_290 : i32
        %add3A_292 = arith.constant 3 : i32
        %add3A_293 = arith.addi %mul3A_291, %add3A_292 : i32
        %get3A_294 = arith.index_cast %add3A_293 : i32 to index
        %get3A_295 = arith.constant 0 : index
        %get3A_296 = tpu.vector_load %arg15[%get3A_294, %get3A_295] {strides = array<i32>} : memref<640x64xf32, #tpu.memory_space<vmem>>, vector<16xf32>,
        %mul3A_297 = arith.mulf %get3A_156, %get3A_296 : vector<16xf32>
        %get3A_298 = arith.index_cast %add3A_293 : i32 to index
        %get3A_299 = arith.constant 16 : index
        %get3A_300 = tpu.vector_load %arg15[%get3A_298, %get3A_299] {strides = array<i32>} : memref<640x64xf32, #tpu.memory_space<vmem>>, vector<16xf32>,
        %mul3A_301 = arith.mulf %get3A_159, %get3A_300 : vector<16xf32>
        %add3A_302 = arith.addf %mul3A_297, %mul3A_301 : vector<16xf32>
        %get3A_303 = arith.index_cast %add3A_293 : i32 to index
        %get3A_304 = arith.constant 32 : index
        %get3A_305 = tpu.vector_load %arg15[%get3A_303, %get3A_304] {strides = array<i32>} : memref<640x64xf32, #tpu.memory_space<vmem>>, vector<16xf32>,
        %mul3A_306 = arith.mulf %get3A_162, %get3A_305 : vector<16xf32>
        %add3A_307 = arith.addf %add3A_302, %mul3A_306 : vector<16xf32>
        %get3A_308 = arith.index_cast %add3A_293 : i32 to index
        %get3A_309 = arith.constant 48 : index
        %get3A_310 = tpu.vector_load %arg15[%get3A_308, %get3A_309] {strides = array<i32>} : memref<640x64xf32, #tpu.memory_space<vmem>>, vector<16xf32>,
        %mul3A_311 = arith.mulf %get3A_165, %get3A_310 : vector<16xf32>
        %add3A_312 = arith.addf %add3A_307, %mul3A_311 : vector<16xf32>
        %reduce_sum3A_313 = arith.constant true
        %reduce_sum3A_314 = vector.broadcast %reduce_sum3A_313 : i1 to vector<16xi1>
        %reduce_sum3A_315 = tpu.scan <sum>, %add3A_312 masked %reduce_sum3A_314 : vector<16xf32>, vector<16xi1> -> vector<16xf32>
        %reduce_sum3A_316 = vector.extract %reduce_sum3A_315[15] : f32 from vector<16xf32>
        %eq3A_317 = arith.constant 4 : i32
        %eq3A_318 = vector.broadcast %eq3A_317 : i32 to vector<16xi32>
        %eq3A_319 = arith.cmpi eq, %iota3A, %eq3A_318 : vector<16xi32>
        %broadcast_in_dim3A_320 = vector.broadcast %reduce_sum3A_316 : f32 to vector<16xf32>
        %select_n3A_321 = arith.select %eq3A_319, %broadcast_in_dim3A_320, %select_n3A_289 : vector<16xi1>, vector<16xf32>
        %mul3A_322 = arith.constant 20 : i32
        %mul3A_323 = arith.muli %scan3A_154, %mul3A_322 : i32
        %add3A_324 = arith.constant 4 : i32
        %add3A_325 = arith.addi %mul3A_323, %add3A_324 : i32
        %get3A_326 = arith.index_cast %add3A_325 : i32 to index
        %get3A_327 = arith.constant 0 : index
        %get3A_328 = tpu.vector_load %arg15[%get3A_326, %get3A_327] {strides = array<i32>} : memref<640x64xf32, #tpu.memory_space<vmem>>, vector<16xf32>,
        %mul3A_329 = arith.mulf %get3A_156, %get3A_328 : vector<16xf32>
        %get3A_330 = arith.index_cast %add3A_325 : i32 to index
        %get3A_331 = arith.constant 16 : index
        %get3A_332 = tpu.vector_load %arg15[%get3A_330, %get3A_331] {strides = array<i32>} : memref<640x64xf32, #tpu.memory_space<vmem>>, vector<16xf32>,
        %mul3A_333 = arith.mulf %get3A_159, %get3A_332 : vector<16xf32>
        %add3A_334 = arith.addf %mul3A_329, %mul3A_333 : vector<16xf32>
        %get3A_335 = arith.index_cast %add3A_325 : i32 to index
        %get3A_336 = arith.constant 32 : index
        %get3A_337 = tpu.vector_load %arg15[%get3A_335, %get3A_336] {strides = array<i32>} : memref<640x64xf32, #tpu.memory_space<vmem>>, vector<16xf32>,
        %mul3A_338 = arith.mulf %get3A_162, %get3A_337 : vector<16xf32>
        %add3A_339 = arith.addf %add3A_334, %mul3A_338 : vector<16xf32>
        %get3A_340 = arith.index_cast %add3A_325 : i32 to index
        %get3A_341 = arith.constant 48 : index
        %get3A_342 = tpu.vector_load %arg15[%get3A_340, %get3A_341] {strides = array<i32>} : memref<640x64xf32, #tpu.memory_space<vmem>>, vector<16xf32>,
        %mul3A_343 = arith.mulf %get3A_165, %get3A_342 : vector<16xf32>
        %add3A_344 = arith.addf %add3A_339, %mul3A_343 : vector<16xf32>
        %reduce_sum3A_345 = arith.constant true
        %reduce_sum3A_346 = vector.broadcast %reduce_sum3A_345 : i1 to vector<16xi1>
        %reduce_sum3A_347 = tpu.scan <sum>, %add3A_344 masked %reduce_sum3A_346 : vector<16xf32>, vector<16xi1> -> vector<16xf32>
        %reduce_sum3A_348 = vector.extract %reduce_sum3A_347[15] : f32 from vector<16xf32>
        %eq3A_349 = arith.constant 5 : i32
        %eq3A_350 = vector.broadcast %eq3A_349 : i32 to vector<16xi32>
        %eq3A_351 = arith.cmpi eq, %iota3A, %eq3A_350 : vector<16xi32>
        %broadcast_in_dim3A_352 = vector.broadcast %reduce_sum3A_348 : f32 to vector<16xf32>
        %select_n3A_353 = arith.select %eq3A_351, %broadcast_in_dim3A_352, %select_n3A_321 : vector<16xi1>, vector<16xf32>
        %mul3A_354 = arith.constant 20 : i32
        %mul3A_355 = arith.muli %scan3A_154, %mul3A_354 : i32
        %add3A_356 = arith.constant 5 : i32
        %add3A_357 = arith.addi %mul3A_355, %add3A_356 : i32
        %get3A_358 = arith.index_cast %add3A_357 : i32 to index
        %get3A_359 = arith.constant 0 : index
        %get3A_360 = tpu.vector_load %arg15[%get3A_358, %get3A_359] {strides = array<i32>} : memref<640x64xf32, #tpu.memory_space<vmem>>, vector<16xf32>,
        %mul3A_361 = arith.mulf %get3A_156, %get3A_360 : vector<16xf32>
        %get3A_362 = arith.index_cast %add3A_357 : i32 to index
        %get3A_363 = arith.constant 16 : index
        %get3A_364 = tpu.vector_load %arg15[%get3A_362, %get3A_363] {strides = array<i32>} : memref<640x64xf32, #tpu.memory_space<vmem>>, vector<16xf32>,
        %mul3A_365 = arith.mulf %get3A_159, %get3A_364 : vector<16xf32>
        %add3A_366 = arith.addf %mul3A_361, %mul3A_365 : vector<16xf32>
        %get3A_367 = arith.index_cast %add3A_357 : i32 to index
        %get3A_368 = arith.constant 32 : index
        %get3A_369 = tpu.vector_load %arg15[%get3A_367, %get3A_368] {strides = array<i32>} : memref<640x64xf32, #tpu.memory_space<vmem>>, vector<16xf32>,
        %mul3A_370 = arith.mulf %get3A_162, %get3A_369 : vector<16xf32>
        %add3A_371 = arith.addf %add3A_366, %mul3A_370 : vector<16xf32>
        %get3A_372 = arith.index_cast %add3A_357 : i32 to index
        %get3A_373 = arith.constant 48 : index
        %get3A_374 = tpu.vector_load %arg15[%get3A_372, %get3A_373] {strides = array<i32>} : memref<640x64xf32, #tpu.memory_space<vmem>>, vector<16xf32>,
        %mul3A_375 = arith.mulf %get3A_165, %get3A_374 : vector<16xf32>
        %add3A_376 = arith.addf %add3A_371, %mul3A_375 : vector<16xf32>
        %reduce_sum3A_377 = arith.constant true
        %reduce_sum3A_378 = vector.broadcast %reduce_sum3A_377 : i1 to vector<16xi1>
        %reduce_sum3A_379 = tpu.scan <sum>, %add3A_376 masked %reduce_sum3A_378 : vector<16xf32>, vector<16xi1> -> vector<16xf32>
        %reduce_sum3A_380 = vector.extract %reduce_sum3A_379[15] : f32 from vector<16xf32>
        %eq3A_381 = arith.constant 6 : i32
        %eq3A_382 = vector.broadcast %eq3A_381 : i32 to vector<16xi32>
        %eq3A_383 = arith.cmpi eq, %iota3A, %eq3A_382 : vector<16xi32>
        %broadcast_in_dim3A_384 = vector.broadcast %reduce_sum3A_380 : f32 to vector<16xf32>
        %select_n3A_385 = arith.select %eq3A_383, %broadcast_in_dim3A_384, %select_n3A_353 : vector<16xi1>, vector<16xf32>
        %mul3A_386 = arith.constant 20 : i32
        %mul3A_387 = arith.muli %scan3A_154, %mul3A_386 : i32
        %add3A_388 = arith.constant 6 : i32
        %add3A_389 = arith.addi %mul3A_387, %add3A_388 : i32
        %get3A_390 = arith.index_cast %add3A_389 : i32 to index
        %get3A_391 = arith.constant 0 : index
        %get3A_392 = tpu.vector_load %arg15[%get3A_390, %get3A_391] {strides = array<i32>} : memref<640x64xf32, #tpu.memory_space<vmem>>, vector<16xf32>,
        %mul3A_393 = arith.mulf %get3A_156, %get3A_392 : vector<16xf32>
        %get3A_394 = arith.index_cast %add3A_389 : i32 to index
        %get3A_395 = arith.constant 16 : index
        %get3A_396 = tpu.vector_load %arg15[%get3A_394, %get3A_395] {strides = array<i32>} : memref<640x64xf32, #tpu.memory_space<vmem>>, vector<16xf32>,
        %mul3A_397 = arith.mulf %get3A_159, %get3A_396 : vector<16xf32>
        %add3A_398 = arith.addf %mul3A_393, %mul3A_397 : vector<16xf32>
        %get3A_399 = arith.index_cast %add3A_389 : i32 to index
        %get3A_400 = arith.constant 32 : index
        %get3A_401 = tpu.vector_load %arg15[%get3A_399, %get3A_400] {strides = array<i32>} : memref<640x64xf32, #tpu.memory_space<vmem>>, vector<16xf32>,
        %mul3A_402 = arith.mulf %get3A_162, %get3A_401 : vector<16xf32>
        %add3A_403 = arith.addf %add3A_398, %mul3A_402 : vector<16xf32>
        %get3A_404 = arith.index_cast %add3A_389 : i32 to index
        %get3A_405 = arith.constant 48 : index
        %get3A_406 = tpu.vector_load %arg15[%get3A_404, %get3A_405] {strides = array<i32>} : memref<640x64xf32, #tpu.memory_space<vmem>>, vector<16xf32>,
        %mul3A_407 = arith.mulf %get3A_165, %get3A_406 : vector<16xf32>
        %add3A_408 = arith.addf %add3A_403, %mul3A_407 : vector<16xf32>
        %reduce_sum3A_409 = arith.constant true
        %reduce_sum3A_410 = vector.broadcast %reduce_sum3A_409 : i1 to vector<16xi1>
        %reduce_sum3A_411 = tpu.scan <sum>, %add3A_408 masked %reduce_sum3A_410 : vector<16xf32>, vector<16xi1> -> vector<16xf32>
        %reduce_sum3A_412 = vector.extract %reduce_sum3A_411[15] : f32 from vector<16xf32>
        %eq3A_413 = arith.constant 7 : i32
        %eq3A_414 = vector.broadcast %eq3A_413 : i32 to vector<16xi32>
        %eq3A_415 = arith.cmpi eq, %iota3A, %eq3A_414 : vector<16xi32>
        %broadcast_in_dim3A_416 = vector.broadcast %reduce_sum3A_412 : f32 to vector<16xf32>
        %select_n3A_417 = arith.select %eq3A_415, %broadcast_in_dim3A_416, %select_n3A_385 : vector<16xi1>, vector<16xf32>
        %mul3A_418 = arith.constant 20 : i32
        %mul3A_419 = arith.muli %scan3A_154, %mul3A_418 : i32
        %add3A_420 = arith.constant 7 : i32
        %add3A_421 = arith.addi %mul3A_419, %add3A_420 : i32
        %get3A_422 = arith.index_cast %add3A_421 : i32 to index
        %get3A_423 = arith.constant 0 : index
        %get3A_424 = tpu.vector_load %arg15[%get3A_422, %get3A_423] {strides = array<i32>} : memref<640x64xf32, #tpu.memory_space<vmem>>, vector<16xf32>,
        %mul3A_425 = arith.mulf %get3A_156, %get3A_424 : vector<16xf32>
        %get3A_426 = arith.index_cast %add3A_421 : i32 to index
        %get3A_427 = arith.constant 16 : index
        %get3A_428 = tpu.vector_load %arg15[%get3A_426, %get3A_427] {strides = array<i32>} : memref<640x64xf32, #tpu.memory_space<vmem>>, vector<16xf32>,
        %mul3A_429 = arith.mulf %get3A_159, %get3A_428 : vector<16xf32>
        %add3A_430 = arith.addf %mul3A_425, %mul3A_429 : vector<16xf32>
        %get3A_431 = arith.index_cast %add3A_421 : i32 to index
        %get3A_432 = arith.constant 32 : index
        %get3A_433 = tpu.vector_load %arg15[%get3A_431, %get3A_432] {strides = array<i32>} : memref<640x64xf32, #tpu.memory_space<vmem>>, vector<16xf32>,
        %mul3A_434 = arith.mulf %get3A_162, %get3A_433 : vector<16xf32>
        %add3A_435 = arith.addf %add3A_430, %mul3A_434 : vector<16xf32>
        %get3A_436 = arith.index_cast %add3A_421 : i32 to index
        %get3A_437 = arith.constant 48 : index
        %get3A_438 = tpu.vector_load %arg15[%get3A_436, %get3A_437] {strides = array<i32>} : memref<640x64xf32, #tpu.memory_space<vmem>>, vector<16xf32>,
        %mul3A_439 = arith.mulf %get3A_165, %get3A_438 : vector<16xf32>
        %add3A_440 = arith.addf %add3A_435, %mul3A_439 : vector<16xf32>
        %reduce_sum3A_441 = arith.constant true
        %reduce_sum3A_442 = vector.broadcast %reduce_sum3A_441 : i1 to vector<16xi1>
        %reduce_sum3A_443 = tpu.scan <sum>, %add3A_440 masked %reduce_sum3A_442 : vector<16xf32>, vector<16xi1> -> vector<16xf32>
        %reduce_sum3A_444 = vector.extract %reduce_sum3A_443[15] : f32 from vector<16xf32>
        %eq3A_445 = arith.constant 8 : i32
        %eq3A_446 = vector.broadcast %eq3A_445 : i32 to vector<16xi32>
        %eq3A_447 = arith.cmpi eq, %iota3A, %eq3A_446 : vector<16xi32>
        %broadcast_in_dim3A_448 = vector.broadcast %reduce_sum3A_444 : f32 to vector<16xf32>
        %select_n3A_449 = arith.select %eq3A_447, %broadcast_in_dim3A_448, %select_n3A_417 : vector<16xi1>, vector<16xf32>
        %mul3A_450 = arith.constant 20 : i32
        %mul3A_451 = arith.muli %scan3A_154, %mul3A_450 : i32
        %add3A_452 = arith.constant 8 : i32
        %add3A_453 = arith.addi %mul3A_451, %add3A_452 : i32
        %get3A_454 = arith.index_cast %add3A_453 : i32 to index
        %get3A_455 = arith.constant 0 : index
        %get3A_456 = tpu.vector_load %arg15[%get3A_454, %get3A_455] {strides = array<i32>} : memref<640x64xf32, #tpu.memory_space<vmem>>, vector<16xf32>,
        %mul3A_457 = arith.mulf %get3A_156, %get3A_456 : vector<16xf32>
        %get3A_458 = arith.index_cast %add3A_453 : i32 to index
        %get3A_459 = arith.constant 16 : index
        %get3A_460 = tpu.vector_load %arg15[%get3A_458, %get3A_459] {strides = array<i32>} : memref<640x64xf32, #tpu.memory_space<vmem>>, vector<16xf32>,
        %mul3A_461 = arith.mulf %get3A_159, %get3A_460 : vector<16xf32>
        %add3A_462 = arith.addf %mul3A_457, %mul3A_461 : vector<16xf32>
        %get3A_463 = arith.index_cast %add3A_453 : i32 to index
        %get3A_464 = arith.constant 32 : index
        %get3A_465 = tpu.vector_load %arg15[%get3A_463, %get3A_464] {strides = array<i32>} : memref<640x64xf32, #tpu.memory_space<vmem>>, vector<16xf32>,
        %mul3A_466 = arith.mulf %get3A_162, %get3A_465 : vector<16xf32>
        %add3A_467 = arith.addf %add3A_462, %mul3A_466 : vector<16xf32>
        %get3A_468 = arith.index_cast %add3A_453 : i32 to index
        %get3A_469 = arith.constant 48 : index
        %get3A_470 = tpu.vector_load %arg15[%get3A_468, %get3A_469] {strides = array<i32>} : memref<640x64xf32, #tpu.memory_space<vmem>>, vector<16xf32>,
        %mul3A_471 = arith.mulf %get3A_165, %get3A_470 : vector<16xf32>
        %add3A_472 = arith.addf %add3A_467, %mul3A_471 : vector<16xf32>
        %reduce_sum3A_473 = arith.constant true
        %reduce_sum3A_474 = vector.broadcast %reduce_sum3A_473 : i1 to vector<16xi1>
        %reduce_sum3A_475 = tpu.scan <sum>, %add3A_472 masked %reduce_sum3A_474 : vector<16xf32>, vector<16xi1> -> vector<16xf32>
        %reduce_sum3A_476 = vector.extract %reduce_sum3A_475[15] : f32 from vector<16xf32>
        %eq3A_477 = arith.constant 9 : i32
        %eq3A_478 = vector.broadcast %eq3A_477 : i32 to vector<16xi32>
        %eq3A_479 = arith.cmpi eq, %iota3A, %eq3A_478 : vector<16xi32>
        %broadcast_in_dim3A_480 = vector.broadcast %reduce_sum3A_476 : f32 to vector<16xf32>
        %select_n3A_481 = arith.select %eq3A_479, %broadcast_in_dim3A_480, %select_n3A_449 : vector<16xi1>, vector<16xf32>
        %mul3A_482 = arith.constant 20 : i32
        %mul3A_483 = arith.muli %scan3A_154, %mul3A_482 : i32
        %add3A_484 = arith.constant 9 : i32
        %add3A_485 = arith.addi %mul3A_483, %add3A_484 : i32
        %get3A_486 = arith.index_cast %add3A_485 : i32 to index
        %get3A_487 = arith.constant 0 : index
        %get3A_488 = tpu.vector_load %arg15[%get3A_486, %get3A_487] {strides = array<i32>} : memref<640x64xf32, #tpu.memory_space<vmem>>, vector<16xf32>,
        %mul3A_489 = arith.mulf %get3A_156, %get3A_488 : vector<16xf32>
        %get3A_490 = arith.index_cast %add3A_485 : i32 to index
        %get3A_491 = arith.constant 16 : index
        %get3A_492 = tpu.vector_load %arg15[%get3A_490, %get3A_491] {strides = array<i32>} : memref<640x64xf32, #tpu.memory_space<vmem>>, vector<16xf32>,
        %mul3A_493 = arith.mulf %get3A_159, %get3A_492 : vector<16xf32>
        %add3A_494 = arith.addf %mul3A_489, %mul3A_493 : vector<16xf32>
        %get3A_495 = arith.index_cast %add3A_485 : i32 to index
        %get3A_496 = arith.constant 32 : index
        %get3A_497 = tpu.vector_load %arg15[%get3A_495, %get3A_496] {strides = array<i32>} : memref<640x64xf32, #tpu.memory_space<vmem>>, vector<16xf32>,
        %mul3A_498 = arith.mulf %get3A_162, %get3A_497 : vector<16xf32>
        %add3A_499 = arith.addf %add3A_494, %mul3A_498 : vector<16xf32>
        %get3A_500 = arith.index_cast %add3A_485 : i32 to index
        %get3A_501 = arith.constant 48 : index
        %get3A_502 = tpu.vector_load %arg15[%get3A_500, %get3A_501] {strides = array<i32>} : memref<640x64xf32, #tpu.memory_space<vmem>>, vector<16xf32>,
        %mul3A_503 = arith.mulf %get3A_165, %get3A_502 : vector<16xf32>
        %add3A_504 = arith.addf %add3A_499, %mul3A_503 : vector<16xf32>
        %reduce_sum3A_505 = arith.constant true
        %reduce_sum3A_506 = vector.broadcast %reduce_sum3A_505 : i1 to vector<16xi1>
        %reduce_sum3A_507 = tpu.scan <sum>, %add3A_504 masked %reduce_sum3A_506 : vector<16xf32>, vector<16xi1> -> vector<16xf32>
        %reduce_sum3A_508 = vector.extract %reduce_sum3A_507[15] : f32 from vector<16xf32>
        %eq3A_509 = arith.constant 10 : i32
        %eq3A_510 = vector.broadcast %eq3A_509 : i32 to vector<16xi32>
        %eq3A_511 = arith.cmpi eq, %iota3A, %eq3A_510 : vector<16xi32>
        %broadcast_in_dim3A_512 = vector.broadcast %reduce_sum3A_508 : f32 to vector<16xf32>
        %select_n3A_513 = arith.select %eq3A_511, %broadcast_in_dim3A_512, %select_n3A_481 : vector<16xi1>, vector<16xf32>
        %mul3A_514 = arith.constant 20 : i32
        %mul3A_515 = arith.muli %scan3A_154, %mul3A_514 : i32
        %add3A_516 = arith.constant 10 : i32
        %add3A_517 = arith.addi %mul3A_515, %add3A_516 : i32
        %get3A_518 = arith.index_cast %add3A_517 : i32 to index
        %get3A_519 = arith.constant 0 : index
        %get3A_520 = tpu.vector_load %arg15[%get3A_518, %get3A_519] {strides = array<i32>} : memref<640x64xf32, #tpu.memory_space<vmem>>, vector<16xf32>,
        %mul3A_521 = arith.mulf %get3A_156, %get3A_520 : vector<16xf32>
        %get3A_522 = arith.index_cast %add3A_517 : i32 to index
        %get3A_523 = arith.constant 16 : index
        %get3A_524 = tpu.vector_load %arg15[%get3A_522, %get3A_523] {strides = array<i32>} : memref<640x64xf32, #tpu.memory_space<vmem>>, vector<16xf32>,
        %mul3A_525 = arith.mulf %get3A_159, %get3A_524 : vector<16xf32>
        %add3A_526 = arith.addf %mul3A_521, %mul3A_525 : vector<16xf32>
        %get3A_527 = arith.index_cast %add3A_517 : i32 to index
        %get3A_528 = arith.constant 32 : index
        %get3A_529 = tpu.vector_load %arg15[%get3A_527, %get3A_528] {strides = array<i32>} : memref<640x64xf32, #tpu.memory_space<vmem>>, vector<16xf32>,
        %mul3A_530 = arith.mulf %get3A_162, %get3A_529 : vector<16xf32>
        %add3A_531 = arith.addf %add3A_526, %mul3A_530 : vector<16xf32>
        %get3A_532 = arith.index_cast %add3A_517 : i32 to index
        %get3A_533 = arith.constant 48 : index
        %get3A_534 = tpu.vector_load %arg15[%get3A_532, %get3A_533] {strides = array<i32>} : memref<640x64xf32, #tpu.memory_space<vmem>>, vector<16xf32>,
        %mul3A_535 = arith.mulf %get3A_165, %get3A_534 : vector<16xf32>
        %add3A_536 = arith.addf %add3A_531, %mul3A_535 : vector<16xf32>
        %reduce_sum3A_537 = arith.constant true
        %reduce_sum3A_538 = vector.broadcast %reduce_sum3A_537 : i1 to vector<16xi1>
        %reduce_sum3A_539 = tpu.scan <sum>, %add3A_536 masked %reduce_sum3A_538 : vector<16xf32>, vector<16xi1> -> vector<16xf32>
        %reduce_sum3A_540 = vector.extract %reduce_sum3A_539[15] : f32 from vector<16xf32>
        %eq3A_541 = arith.constant 11 : i32
        %eq3A_542 = vector.broadcast %eq3A_541 : i32 to vector<16xi32>
        %eq3A_543 = arith.cmpi eq, %iota3A, %eq3A_542 : vector<16xi32>
        %broadcast_in_dim3A_544 = vector.broadcast %reduce_sum3A_540 : f32 to vector<16xf32>
        %select_n3A_545 = arith.select %eq3A_543, %broadcast_in_dim3A_544, %select_n3A_513 : vector<16xi1>, vector<16xf32>
        %mul3A_546 = arith.constant 20 : i32
        %mul3A_547 = arith.muli %scan3A_154, %mul3A_546 : i32
        %add3A_548 = arith.constant 11 : i32
        %add3A_549 = arith.addi %mul3A_547, %add3A_548 : i32
        %get3A_550 = arith.index_cast %add3A_549 : i32 to index
        %get3A_551 = arith.constant 0 : index
        %get3A_552 = tpu.vector_load %arg15[%get3A_550, %get3A_551] {strides = array<i32>} : memref<640x64xf32, #tpu.memory_space<vmem>>, vector<16xf32>,
        %mul3A_553 = arith.mulf %get3A_156, %get3A_552 : vector<16xf32>
        %get3A_554 = arith.index_cast %add3A_549 : i32 to index
        %get3A_555 = arith.constant 16 : index
        %get3A_556 = tpu.vector_load %arg15[%get3A_554, %get3A_555] {strides = array<i32>} : memref<640x64xf32, #tpu.memory_space<vmem>>, vector<16xf32>,
        %mul3A_557 = arith.mulf %get3A_159, %get3A_556 : vector<16xf32>
        %add3A_558 = arith.addf %mul3A_553, %mul3A_557 : vector<16xf32>
        %get3A_559 = arith.index_cast %add3A_549 : i32 to index
        %get3A_560 = arith.constant 32 : index
        %get3A_561 = tpu.vector_load %arg15[%get3A_559, %get3A_560] {strides = array<i32>} : memref<640x64xf32, #tpu.memory_space<vmem>>, vector<16xf32>,
        %mul3A_562 = arith.mulf %get3A_162, %get3A_561 : vector<16xf32>
        %add3A_563 = arith.addf %add3A_558, %mul3A_562 : vector<16xf32>
        %get3A_564 = arith.index_cast %add3A_549 : i32 to index
        %get3A_565 = arith.constant 48 : index
        %get3A_566 = tpu.vector_load %arg15[%get3A_564, %get3A_565] {strides = array<i32>} : memref<640x64xf32, #tpu.memory_space<vmem>>, vector<16xf32>,
        %mul3A_567 = arith.mulf %get3A_165, %get3A_566 : vector<16xf32>
        %add3A_568 = arith.addf %add3A_563, %mul3A_567 : vector<16xf32>
        %reduce_sum3A_569 = arith.constant true
        %reduce_sum3A_570 = vector.broadcast %reduce_sum3A_569 : i1 to vector<16xi1>
        %reduce_sum3A_571 = tpu.scan <sum>, %add3A_568 masked %reduce_sum3A_570 : vector<16xf32>, vector<16xi1> -> vector<16xf32>
        %reduce_sum3A_572 = vector.extract %reduce_sum3A_571[15] : f32 from vector<16xf32>
        %eq3A_573 = arith.constant 12 : i32
        %eq3A_574 = vector.broadcast %eq3A_573 : i32 to vector<16xi32>
        %eq3A_575 = arith.cmpi eq, %iota3A, %eq3A_574 : vector<16xi32>
        %broadcast_in_dim3A_576 = vector.broadcast %reduce_sum3A_572 : f32 to vector<16xf32>
        %select_n3A_577 = arith.select %eq3A_575, %broadcast_in_dim3A_576, %select_n3A_545 : vector<16xi1>, vector<16xf32>
        %mul3A_578 = arith.constant 20 : i32
        %mul3A_579 = arith.muli %scan3A_154, %mul3A_578 : i32
        %add3A_580 = arith.constant 12 : i32
        %add3A_581 = arith.addi %mul3A_579, %add3A_580 : i32
        %get3A_582 = arith.index_cast %add3A_581 : i32 to index
        %get3A_583 = arith.constant 0 : index
        %get3A_584 = tpu.vector_load %arg15[%get3A_582, %get3A_583] {strides = array<i32>} : memref<640x64xf32, #tpu.memory_space<vmem>>, vector<16xf32>,
        %mul3A_585 = arith.mulf %get3A_156, %get3A_584 : vector<16xf32>
        %get3A_586 = arith.index_cast %add3A_581 : i32 to index
        %get3A_587 = arith.constant 16 : index
        %get3A_588 = tpu.vector_load %arg15[%get3A_586, %get3A_587] {strides = array<i32>} : memref<640x64xf32, #tpu.memory_space<vmem>>, vector<16xf32>,
        %mul3A_589 = arith.mulf %get3A_159, %get3A_588 : vector<16xf32>
        %add3A_590 = arith.addf %mul3A_585, %mul3A_589 : vector<16xf32>
        %get3A_591 = arith.index_cast %add3A_581 : i32 to index
        %get3A_592 = arith.constant 32 : index
        %get3A_593 = tpu.vector_load %arg15[%get3A_591, %get3A_592] {strides = array<i32>} : memref<640x64xf32, #tpu.memory_space<vmem>>, vector<16xf32>,
        %mul3A_594 = arith.mulf %get3A_162, %get3A_593 : vector<16xf32>
        %add3A_595 = arith.addf %add3A_590, %mul3A_594 : vector<16xf32>
        %get3A_596 = arith.index_cast %add3A_581 : i32 to index
        %get3A_597 = arith.constant 48 : index
        %get3A_598 = tpu.vector_load %arg15[%get3A_596, %get3A_597] {strides = array<i32>} : memref<640x64xf32, #tpu.memory_space<vmem>>, vector<16xf32>,
        %mul3A_599 = arith.mulf %get3A_165, %get3A_598 : vector<16xf32>
        %add3A_600 = arith.addf %add3A_595, %mul3A_599 : vector<16xf32>
        %reduce_sum3A_601 = arith.constant true
        %reduce_sum3A_602 = vector.broadcast %reduce_sum3A_601 : i1 to vector<16xi1>
        %reduce_sum3A_603 = tpu.scan <sum>, %add3A_600 masked %reduce_sum3A_602 : vector<16xf32>, vector<16xi1> -> vector<16xf32>
        %reduce_sum3A_604 = vector.extract %reduce_sum3A_603[15] : f32 from vector<16xf32>
        %eq3A_605 = arith.constant 13 : i32
        %eq3A_606 = vector.broadcast %eq3A_605 : i32 to vector<16xi32>
        %eq3A_607 = arith.cmpi eq, %iota3A, %eq3A_606 : vector<16xi32>
        %broadcast_in_dim3A_608 = vector.broadcast %reduce_sum3A_604 : f32 to vector<16xf32>
        %select_n3A_609 = arith.select %eq3A_607, %broadcast_in_dim3A_608, %select_n3A_577 : vector<16xi1>, vector<16xf32>
        %mul3A_610 = arith.constant 20 : i32
        %mul3A_611 = arith.muli %scan3A_154, %mul3A_610 : i32
        %add3A_612 = arith.constant 13 : i32
        %add3A_613 = arith.addi %mul3A_611, %add3A_612 : i32
        %get3A_614 = arith.index_cast %add3A_613 : i32 to index
        %get3A_615 = arith.constant 0 : index
        %get3A_616 = tpu.vector_load %arg15[%get3A_614, %get3A_615] {strides = array<i32>} : memref<640x64xf32, #tpu.memory_space<vmem>>, vector<16xf32>,
        %mul3A_617 = arith.mulf %get3A_156, %get3A_616 : vector<16xf32>
        %get3A_618 = arith.index_cast %add3A_613 : i32 to index
        %get3A_619 = arith.constant 16 : index
        %get3A_620 = tpu.vector_load %arg15[%get3A_618, %get3A_619] {strides = array<i32>} : memref<640x64xf32, #tpu.memory_space<vmem>>, vector<16xf32>,
        %mul3A_621 = arith.mulf %get3A_159, %get3A_620 : vector<16xf32>
        %add3A_622 = arith.addf %mul3A_617, %mul3A_621 : vector<16xf32>
        %get3A_623 = arith.index_cast %add3A_613 : i32 to index
        %get3A_624 = arith.constant 32 : index
        %get3A_625 = tpu.vector_load %arg15[%get3A_623, %get3A_624] {strides = array<i32>} : memref<640x64xf32, #tpu.memory_space<vmem>>, vector<16xf32>,
        %mul3A_626 = arith.mulf %get3A_162, %get3A_625 : vector<16xf32>
        %add3A_627 = arith.addf %add3A_622, %mul3A_626 : vector<16xf32>
        %get3A_628 = arith.index_cast %add3A_613 : i32 to index
        %get3A_629 = arith.constant 48 : index
        %get3A_630 = tpu.vector_load %arg15[%get3A_628, %get3A_629] {strides = array<i32>} : memref<640x64xf32, #tpu.memory_space<vmem>>, vector<16xf32>,
        %mul3A_631 = arith.mulf %get3A_165, %get3A_630 : vector<16xf32>
        %add3A_632 = arith.addf %add3A_627, %mul3A_631 : vector<16xf32>
        %reduce_sum3A_633 = arith.constant true
        %reduce_sum3A_634 = vector.broadcast %reduce_sum3A_633 : i1 to vector<16xi1>
        %reduce_sum3A_635 = tpu.scan <sum>, %add3A_632 masked %reduce_sum3A_634 : vector<16xf32>, vector<16xi1> -> vector<16xf32>
        %reduce_sum3A_636 = vector.extract %reduce_sum3A_635[15] : f32 from vector<16xf32>
        %eq3A_637 = arith.constant 14 : i32
        %eq3A_638 = vector.broadcast %eq3A_637 : i32 to vector<16xi32>
        %eq3A_639 = arith.cmpi eq, %iota3A, %eq3A_638 : vector<16xi32>
        %broadcast_in_dim3A_640 = vector.broadcast %reduce_sum3A_636 : f32 to vector<16xf32>
        %select_n3A_641 = arith.select %eq3A_639, %broadcast_in_dim3A_640, %select_n3A_609 : vector<16xi1>, vector<16xf32>
        %mul3A_642 = arith.constant 20 : i32
        %mul3A_643 = arith.muli %scan3A_154, %mul3A_642 : i32
        %add3A_644 = arith.constant 14 : i32
        %add3A_645 = arith.addi %mul3A_643, %add3A_644 : i32
        %get3A_646 = arith.index_cast %add3A_645 : i32 to index
        %get3A_647 = arith.constant 0 : index
        %get3A_648 = tpu.vector_load %arg15[%get3A_646, %get3A_647] {strides = array<i32>} : memref<640x64xf32, #tpu.memory_space<vmem>>, vector<16xf32>,
        %mul3A_649 = arith.mulf %get3A_156, %get3A_648 : vector<16xf32>
        %get3A_650 = arith.index_cast %add3A_645 : i32 to index
        %get3A_651 = arith.constant 16 : index
        %get3A_652 = tpu.vector_load %arg15[%get3A_650, %get3A_651] {strides = array<i32>} : memref<640x64xf32, #tpu.memory_space<vmem>>, vector<16xf32>,
        %mul3A_653 = arith.mulf %get3A_159, %get3A_652 : vector<16xf32>
        %add3A_654 = arith.addf %mul3A_649, %mul3A_653 : vector<16xf32>
        %get3A_655 = arith.index_cast %add3A_645 : i32 to index
        %get3A_656 = arith.constant 32 : index
        %get3A_657 = tpu.vector_load %arg15[%get3A_655, %get3A_656] {strides = array<i32>} : memref<640x64xf32, #tpu.memory_space<vmem>>, vector<16xf32>,
        %mul3A_658 = arith.mulf %get3A_162, %get3A_657 : vector<16xf32>
        %add3A_659 = arith.addf %add3A_654, %mul3A_658 : vector<16xf32>
        %get3A_660 = arith.index_cast %add3A_645 : i32 to index
        %get3A_661 = arith.constant 48 : index
        %get3A_662 = tpu.vector_load %arg15[%get3A_660, %get3A_661] {strides = array<i32>} : memref<640x64xf32, #tpu.memory_space<vmem>>, vector<16xf32>,
        %mul3A_663 = arith.mulf %get3A_165, %get3A_662 : vector<16xf32>
        %add3A_664 = arith.addf %add3A_659, %mul3A_663 : vector<16xf32>
        %reduce_sum3A_665 = arith.constant true
        %reduce_sum3A_666 = vector.broadcast %reduce_sum3A_665 : i1 to vector<16xi1>
        %reduce_sum3A_667 = tpu.scan <sum>, %add3A_664 masked %reduce_sum3A_666 : vector<16xf32>, vector<16xi1> -> vector<16xf32>
        %reduce_sum3A_668 = vector.extract %reduce_sum3A_667[15] : f32 from vector<16xf32>
        %eq3A_669 = arith.constant 15 : i32
        %eq3A_670 = vector.broadcast %eq3A_669 : i32 to vector<16xi32>
        %eq3A_671 = arith.cmpi eq, %iota3A, %eq3A_670 : vector<16xi32>
        %broadcast_in_dim3A_672 = vector.broadcast %reduce_sum3A_668 : f32 to vector<16xf32>
        %select_n3A_673 = arith.select %eq3A_671, %broadcast_in_dim3A_672, %select_n3A_641 : vector<16xi1>, vector<16xf32>
        %mul3A_674 = arith.constant 20 : i32
        %mul3A_675 = arith.muli %scan3A_154, %mul3A_674 : i32
        %add3A_676 = arith.constant 15 : i32
        %add3A_677 = arith.addi %mul3A_675, %add3A_676 : i32
        %get3A_678 = arith.index_cast %add3A_677 : i32 to index
        %get3A_679 = arith.constant 0 : index
        %get3A_680 = tpu.vector_load %arg15[%get3A_678, %get3A_679] {strides = array<i32>} : memref<640x64xf32, #tpu.memory_space<vmem>>, vector<16xf32>,
        %mul3A_681 = arith.mulf %get3A_156, %get3A_680 : vector<16xf32>
        %get3A_682 = arith.index_cast %add3A_677 : i32 to index
        %get3A_683 = arith.constant 16 : index
        %get3A_684 = tpu.vector_load %arg15[%get3A_682, %get3A_683] {strides = array<i32>} : memref<640x64xf32, #tpu.memory_space<vmem>>, vector<16xf32>,
        %mul3A_685 = arith.mulf %get3A_159, %get3A_684 : vector<16xf32>
        %add3A_686 = arith.addf %mul3A_681, %mul3A_685 : vector<16xf32>
        %get3A_687 = arith.index_cast %add3A_677 : i32 to index
        %get3A_688 = arith.constant 32 : index
        %get3A_689 = tpu.vector_load %arg15[%get3A_687, %get3A_688] {strides = array<i32>} : memref<640x64xf32, #tpu.memory_space<vmem>>, vector<16xf32>,
        %mul3A_690 = arith.mulf %get3A_162, %get3A_689 : vector<16xf32>
        %add3A_691 = arith.addf %add3A_686, %mul3A_690 : vector<16xf32>
        %get3A_692 = arith.index_cast %add3A_677 : i32 to index
        %get3A_693 = arith.constant 48 : index
        %get3A_694 = tpu.vector_load %arg15[%get3A_692, %get3A_693] {strides = array<i32>} : memref<640x64xf32, #tpu.memory_space<vmem>>, vector<16xf32>,
        %mul3A_695 = arith.mulf %get3A_165, %get3A_694 : vector<16xf32>
        %add3A_696 = arith.addf %add3A_691, %mul3A_695 : vector<16xf32>
        %reduce_sum3A_697 = arith.constant true
        %reduce_sum3A_698 = vector.broadcast %reduce_sum3A_697 : i1 to vector<16xi1>
        %reduce_sum3A_699 = tpu.scan <sum>, %add3A_696 masked %reduce_sum3A_698 : vector<16xf32>, vector<16xi1> -> vector<16xf32>
        %reduce_sum3A_700 = vector.extract %reduce_sum3A_699[15] : f32 from vector<16xf32>
        %eq3A_701 = arith.constant 0 : i32
        %eq3A_702 = vector.broadcast %eq3A_701 : i32 to vector<16xi32>
        %eq3A_703 = arith.cmpi eq, %iota3A, %eq3A_702 : vector<16xi32>
        %broadcast_in_dim3A_704 = vector.broadcast %reduce_sum3A_700 : f32 to vector<16xf32>
        %select_n3A_705 = arith.select %eq3A_703, %broadcast_in_dim3A_704, %broadcast_in_dim3A_168 : vector<16xi1>, vector<16xf32>
        %mul3A_706 = arith.constant 20 : i32
        %mul3A_707 = arith.muli %scan3A_154, %mul3A_706 : i32
        %add3A_708 = arith.constant 16 : i32
        %add3A_709 = arith.addi %mul3A_707, %add3A_708 : i32
        %get3A_710 = arith.index_cast %add3A_709 : i32 to index
        %get3A_711 = arith.constant 0 : index
        %get3A_712 = tpu.vector_load %arg15[%get3A_710, %get3A_711] {strides = array<i32>} : memref<640x64xf32, #tpu.memory_space<vmem>>, vector<16xf32>,
        %mul3A_713 = arith.mulf %get3A_156, %get3A_712 : vector<16xf32>
        %get3A_714 = arith.index_cast %add3A_709 : i32 to index
        %get3A_715 = arith.constant 16 : index
        %get3A_716 = tpu.vector_load %arg15[%get3A_714, %get3A_715] {strides = array<i32>} : memref<640x64xf32, #tpu.memory_space<vmem>>, vector<16xf32>,
        %mul3A_717 = arith.mulf %get3A_159, %get3A_716 : vector<16xf32>
        %add3A_718 = arith.addf %mul3A_713, %mul3A_717 : vector<16xf32>
        %get3A_719 = arith.index_cast %add3A_709 : i32 to index
        %get3A_720 = arith.constant 32 : index
        %get3A_721 = tpu.vector_load %arg15[%get3A_719, %get3A_720] {strides = array<i32>} : memref<640x64xf32, #tpu.memory_space<vmem>>, vector<16xf32>,
        %mul3A_722 = arith.mulf %get3A_162, %get3A_721 : vector<16xf32>
        %add3A_723 = arith.addf %add3A_718, %mul3A_722 : vector<16xf32>
        %get3A_724 = arith.index_cast %add3A_709 : i32 to index
        %get3A_725 = arith.constant 48 : index
        %get3A_726 = tpu.vector_load %arg15[%get3A_724, %get3A_725] {strides = array<i32>} : memref<640x64xf32, #tpu.memory_space<vmem>>, vector<16xf32>,
        %mul3A_727 = arith.mulf %get3A_165, %get3A_726 : vector<16xf32>
        %add3A_728 = arith.addf %add3A_723, %mul3A_727 : vector<16xf32>
        %reduce_sum3A_729 = arith.constant true
        %reduce_sum3A_730 = vector.broadcast %reduce_sum3A_729 : i1 to vector<16xi1>
        %reduce_sum3A_731 = tpu.scan <sum>, %add3A_728 masked %reduce_sum3A_730 : vector<16xf32>, vector<16xi1> -> vector<16xf32>
        %reduce_sum3A_732 = vector.extract %reduce_sum3A_731[15] : f32 from vector<16xf32>
        %eq3A_733 = arith.constant 1 : i32
        %eq3A_734 = vector.broadcast %eq3A_733 : i32 to vector<16xi32>
        %eq3A_735 = arith.cmpi eq, %iota3A, %eq3A_734 : vector<16xi32>
        %broadcast_in_dim3A_736 = vector.broadcast %reduce_sum3A_732 : f32 to vector<16xf32>
        %select_n3A_737 = arith.select %eq3A_735, %broadcast_in_dim3A_736, %select_n3A_705 : vector<16xi1>, vector<16xf32>
        %mul3A_738 = arith.constant 20 : i32
        %mul3A_739 = arith.muli %scan3A_154, %mul3A_738 : i32
        %add3A_740 = arith.constant 17 : i32
        %add3A_741 = arith.addi %mul3A_739, %add3A_740 : i32
        %get3A_742 = arith.index_cast %add3A_741 : i32 to index
        %get3A_743 = arith.constant 0 : index
        %get3A_744 = tpu.vector_load %arg15[%get3A_742, %get3A_743] {strides = array<i32>} : memref<640x64xf32, #tpu.memory_space<vmem>>, vector<16xf32>,
        %mul3A_745 = arith.mulf %get3A_156, %get3A_744 : vector<16xf32>
        %get3A_746 = arith.index_cast %add3A_741 : i32 to index
        %get3A_747 = arith.constant 16 : index
        %get3A_748 = tpu.vector_load %arg15[%get3A_746, %get3A_747] {strides = array<i32>} : memref<640x64xf32, #tpu.memory_space<vmem>>, vector<16xf32>,
        %mul3A_749 = arith.mulf %get3A_159, %get3A_748 : vector<16xf32>
        %add3A_750 = arith.addf %mul3A_745, %mul3A_749 : vector<16xf32>
        %get3A_751 = arith.index_cast %add3A_741 : i32 to index
        %get3A_752 = arith.constant 32 : index
        %get3A_753 = tpu.vector_load %arg15[%get3A_751, %get3A_752] {strides = array<i32>} : memref<640x64xf32, #tpu.memory_space<vmem>>, vector<16xf32>,
        %mul3A_754 = arith.mulf %get3A_162, %get3A_753 : vector<16xf32>
        %add3A_755 = arith.addf %add3A_750, %mul3A_754 : vector<16xf32>
        %get3A_756 = arith.index_cast %add3A_741 : i32 to index
        %get3A_757 = arith.constant 48 : index
        %get3A_758 = tpu.vector_load %arg15[%get3A_756, %get3A_757] {strides = array<i32>} : memref<640x64xf32, #tpu.memory_space<vmem>>, vector<16xf32>,
        %mul3A_759 = arith.mulf %get3A_165, %get3A_758 : vector<16xf32>
        %add3A_760 = arith.addf %add3A_755, %mul3A_759 : vector<16xf32>
        %reduce_sum3A_761 = arith.constant true
        %reduce_sum3A_762 = vector.broadcast %reduce_sum3A_761 : i1 to vector<16xi1>
        %reduce_sum3A_763 = tpu.scan <sum>, %add3A_760 masked %reduce_sum3A_762 : vector<16xf32>, vector<16xi1> -> vector<16xf32>
        %reduce_sum3A_764 = vector.extract %reduce_sum3A_763[15] : f32 from vector<16xf32>
        %eq3A_765 = arith.constant 2 : i32
        %eq3A_766 = vector.broadcast %eq3A_765 : i32 to vector<16xi32>
        %eq3A_767 = arith.cmpi eq, %iota3A, %eq3A_766 : vector<16xi32>
        %broadcast_in_dim3A_768 = vector.broadcast %reduce_sum3A_764 : f32 to vector<16xf32>
        %select_n3A_769 = arith.select %eq3A_767, %broadcast_in_dim3A_768, %select_n3A_737 : vector<16xi1>, vector<16xf32>
        %mul3A_770 = arith.constant 20 : i32
        %mul3A_771 = arith.muli %scan3A_154, %mul3A_770 : i32
        %add3A_772 = arith.constant 18 : i32
        %add3A_773 = arith.addi %mul3A_771, %add3A_772 : i32
        %get3A_774 = arith.index_cast %add3A_773 : i32 to index
        %get3A_775 = arith.constant 0 : index
        %get3A_776 = tpu.vector_load %arg15[%get3A_774, %get3A_775] {strides = array<i32>} : memref<640x64xf32, #tpu.memory_space<vmem>>, vector<16xf32>,
        %mul3A_777 = arith.mulf %get3A_156, %get3A_776 : vector<16xf32>
        %get3A_778 = arith.index_cast %add3A_773 : i32 to index
        %get3A_779 = arith.constant 16 : index
        %get3A_780 = tpu.vector_load %arg15[%get3A_778, %get3A_779] {strides = array<i32>} : memref<640x64xf32, #tpu.memory_space<vmem>>, vector<16xf32>,
        %mul3A_781 = arith.mulf %get3A_159, %get3A_780 : vector<16xf32>
        %add3A_782 = arith.addf %mul3A_777, %mul3A_781 : vector<16xf32>
        %get3A_783 = arith.index_cast %add3A_773 : i32 to index
        %get3A_784 = arith.constant 32 : index
        %get3A_785 = tpu.vector_load %arg15[%get3A_783, %get3A_784] {strides = array<i32>} : memref<640x64xf32, #tpu.memory_space<vmem>>, vector<16xf32>,
        %mul3A_786 = arith.mulf %get3A_162, %get3A_785 : vector<16xf32>
        %add3A_787 = arith.addf %add3A_782, %mul3A_786 : vector<16xf32>
        %get3A_788 = arith.index_cast %add3A_773 : i32 to index
        %get3A_789 = arith.constant 48 : index
        %get3A_790 = tpu.vector_load %arg15[%get3A_788, %get3A_789] {strides = array<i32>} : memref<640x64xf32, #tpu.memory_space<vmem>>, vector<16xf32>,
        %mul3A_791 = arith.mulf %get3A_165, %get3A_790 : vector<16xf32>
        %add3A_792 = arith.addf %add3A_787, %mul3A_791 : vector<16xf32>
        %reduce_sum3A_793 = arith.constant true
        %reduce_sum3A_794 = vector.broadcast %reduce_sum3A_793 : i1 to vector<16xi1>
        %reduce_sum3A_795 = tpu.scan <sum>, %add3A_792 masked %reduce_sum3A_794 : vector<16xf32>, vector<16xi1> -> vector<16xf32>
        %reduce_sum3A_796 = vector.extract %reduce_sum3A_795[15] : f32 from vector<16xf32>
        %eq3A_797 = arith.constant 3 : i32
        %eq3A_798 = vector.broadcast %eq3A_797 : i32 to vector<16xi32>
        %eq3A_799 = arith.cmpi eq, %iota3A, %eq3A_798 : vector<16xi32>
        %broadcast_in_dim3A_800 = vector.broadcast %reduce_sum3A_796 : f32 to vector<16xf32>
        %select_n3A_801 = arith.select %eq3A_799, %broadcast_in_dim3A_800, %select_n3A_769 : vector<16xi1>, vector<16xf32>
        %mul3A_802 = arith.constant 20 : i32
        %mul3A_803 = arith.muli %scan3A_154, %mul3A_802 : i32
        %add3A_804 = arith.constant 19 : i32
        %add3A_805 = arith.addi %mul3A_803, %add3A_804 : i32
        %get3A_806 = arith.index_cast %add3A_805 : i32 to index
        %get3A_807 = arith.constant 0 : index
        %get3A_808 = tpu.vector_load %arg15[%get3A_806, %get3A_807] {strides = array<i32>} : memref<640x64xf32, #tpu.memory_space<vmem>>, vector<16xf32>,
        %mul3A_809 = arith.mulf %get3A_156, %get3A_808 : vector<16xf32>
        %get3A_810 = arith.index_cast %add3A_805 : i32 to index
        %get3A_811 = arith.constant 16 : index
        %get3A_812 = tpu.vector_load %arg15[%get3A_810, %get3A_811] {strides = array<i32>} : memref<640x64xf32, #tpu.memory_space<vmem>>, vector<16xf32>,
        %mul3A_813 = arith.mulf %get3A_159, %get3A_812 : vector<16xf32>
        %add3A_814 = arith.addf %mul3A_809, %mul3A_813 : vector<16xf32>
        %get3A_815 = arith.index_cast %add3A_805 : i32 to index
        %get3A_816 = arith.constant 32 : index
        %get3A_817 = tpu.vector_load %arg15[%get3A_815, %get3A_816] {strides = array<i32>} : memref<640x64xf32, #tpu.memory_space<vmem>>, vector<16xf32>,
        %mul3A_818 = arith.mulf %get3A_162, %get3A_817 : vector<16xf32>
        %add3A_819 = arith.addf %add3A_814, %mul3A_818 : vector<16xf32>
        %get3A_820 = arith.index_cast %add3A_805 : i32 to index
        %get3A_821 = arith.constant 48 : index
        %get3A_822 = tpu.vector_load %arg15[%get3A_820, %get3A_821] {strides = array<i32>} : memref<640x64xf32, #tpu.memory_space<vmem>>, vector<16xf32>,
        %mul3A_823 = arith.mulf %get3A_165, %get3A_822 : vector<16xf32>
        %add3A_824 = arith.addf %add3A_819, %mul3A_823 : vector<16xf32>
        %reduce_sum3A_825 = arith.constant true
        %reduce_sum3A_826 = vector.broadcast %reduce_sum3A_825 : i1 to vector<16xi1>
        %reduce_sum3A_827 = tpu.scan <sum>, %add3A_824 masked %reduce_sum3A_826 : vector<16xf32>, vector<16xi1> -> vector<16xf32>
        %reduce_sum3A_828 = vector.extract %reduce_sum3A_827[15] : f32 from vector<16xf32>
        %eq3A_829 = arith.constant 4 : i32
        %eq3A_830 = vector.broadcast %eq3A_829 : i32 to vector<16xi32>
        %eq3A_831 = arith.cmpi eq, %iota3A, %eq3A_830 : vector<16xi32>
        %broadcast_in_dim3A_832 = vector.broadcast %reduce_sum3A_828 : f32 to vector<16xf32>
        %select_n3A_833 = arith.select %eq3A_831, %broadcast_in_dim3A_832, %select_n3A_801 : vector<16xi1>, vector<16xf32>
        %mul3A_834 = arith.constant 32 : i32
        %mul3A_835 = arith.muli %scan3A_154, %mul3A_834 : i32
        %swap3A = arith.index_cast %mul3A_835 : i32 to index
        %swap3A_836 = tpu.vector_load %arg17[%swap3A] {strides = array<i32>} : memref<1024xf32, #tpu.memory_space<vmem>>, vector<16xf32>,
        tpu.vector_store %arg17[%swap3A], %select_n3A_673 {strides = array<i32>} : memref<1024xf32, #tpu.memory_space<vmem>>, vector<16xf32>,
        %mul3A_837 = arith.constant 32 : i32
        %mul3A_838 = arith.muli %scan3A_154, %mul3A_837 : i32
        %add3A_839 = arith.constant 16 : i32
        %add3A_840 = arith.addi %mul3A_838, %add3A_839 : i32
        %swap3A_841 = arith.index_cast %add3A_840 : i32 to index
        %swap3A_842 = tpu.vector_load %arg17[%swap3A_841] {strides = array<i32>} : memref<1024xf32, #tpu.memory_space<vmem>>, vector<16xf32>,
        tpu.vector_store %arg17[%swap3A_841], %select_n3A_833 {strides = array<i32>} : memref<1024xf32, #tpu.memory_space<vmem>>, vector<16xf32>,
      }
      %scan3A_101 = arith.constant 32 : i32
      %mul3A_102 = arith.constant 32 : i32
      %mul3A_103 = arith.muli %add3A_95, %mul3A_102 : i32
      "tpu.region"() ({
        %run_scoped3A = tpu.sem_alloc : memref<!tpu.dma_semaphore, #tpu.memory_space<semaphore_mem>>
        %dma_start3A_154 = tpu.memref_slice %arg7[%mul3A_103] : memref<524288xf32, #tpu.memory_space<hbm>> -> memref<1024xf32, #tpu.memory_space<hbm>>
        %dma_start3A_155 = tpu.memref_slice %arg7[%mul3A_103] : memref<524288xf32, #tpu.memory_space<hbm>> -> memref<1024xf32, #tpu.memory_space<hbm>>
        tpu.enqueue_dma source(%arg17 : memref<1024xf32, #tpu.memory_space<vmem>>) target(%dma_start3A_155 : memref<1024xf32, #tpu.memory_space<hbm>>) target_semaphore(%run_scoped3A : memref<!tpu.dma_semaphore, #tpu.memory_space<semaphore_mem>>)
        %dma_wait3A_156 = tpu.memref_slice %arg7[%mul3A_103] : memref<524288xf32, #tpu.memory_space<hbm>> -> memref<1024xf32, #tpu.memory_space<hbm>>
        %dma_wait3A_157 = tpu.memref_slice %arg7[%mul3A_103] : memref<524288xf32, #tpu.memory_space<hbm>> -> memref<1024xf32, #tpu.memory_space<hbm>>
        tpu.wait_dma2 semaphore(%run_scoped3A : memref<!tpu.dma_semaphore, #tpu.memory_space<semaphore_mem>>) src(%arg17 : memref<1024xf32, #tpu.memory_space<vmem>>) dst(%dma_wait3A_157 : memref<1024xf32, #tpu.memory_space<hbm>>)
        tpu.yield
      }) : () -> ()
      %add3A_104 = arith.constant 1 : i32
      %add3A_105 = arith.addi %add3A_56, %add3A_104 : i32
      %min3A = arith.constant 15 : i32
      %min3A_106 = arith.minsi %add3A_105, %min3A : i32
      %mul3A_107 = arith.constant 32 : i32
      %mul3A_108 = arith.muli %min3A_106, %mul3A_107 : i32
      %dma_start3A_109 = tpu.memref_slice %arg8[%mul3A_108] : memref<512xi32, #tpu.memory_space<vmem>> -> memref<32xi32, #tpu.memory_space<vmem>>
      %dma_start3A_110 = arith.constant 0 : i32
      %dma_start3A_111 = arith.constant 0 : i32
      %dma_start3A_112 = tpu.memref_slice %arg2[%dma_start3A_110, %dma_start3A_111] : memref<1000000x64xf32, #tpu.memory_space<hbm>> -> memref<1000000x64xf32, #tpu.memory_space<hbm>>
      tpu.enqueue_indirect_dma source(%dma_start3A_112 : memref<1000000x64xf32, #tpu.memory_space<hbm>>) target(%arg11 : memref<32x64xf32, #tpu.memory_space<vmem>>) offsets(%dma_start3A_109 : memref<32xi32, #tpu.memory_space<vmem>>) semaphore(%arg18 : memref<!tpu.dma_semaphore, #tpu.memory_space<semaphore_mem>>)
      %mul3A_113 = arith.constant 32 : i32
      %mul3A_114 = arith.muli %min3A_106, %mul3A_113 : i32
      %dma_start3A_115 = tpu.memref_slice %arg9[%mul3A_114] : memref<512xi32, #tpu.memory_space<vmem>> -> memref<32xi32, #tpu.memory_space<vmem>>
      %dma_start3A_116 = arith.constant 0 : i32
      %dma_start3A_117 = arith.constant 0 : i32
      %dma_start3A_118 = tpu.memref_slice %arg3[%dma_start3A_116, %dma_start3A_117] : memref<1000000x64xf32, #tpu.memory_space<hbm>> -> memref<1000000x64xf32, #tpu.memory_space<hbm>>
      tpu.enqueue_indirect_dma source(%dma_start3A_118 : memref<1000000x64xf32, #tpu.memory_space<hbm>>) target(%arg13 : memref<32x64xf32, #tpu.memory_space<vmem>>) offsets(%dma_start3A_115 : memref<32xi32, #tpu.memory_space<vmem>>) semaphore(%arg20 : memref<!tpu.dma_semaphore, #tpu.memory_space<semaphore_mem>>)
      %mul3A_119 = arith.constant 640 : i32
      %mul3A_120 = arith.muli %min3A_106, %mul3A_119 : i32
      %dma_start3A_121 = tpu.memref_slice %arg10[%mul3A_120] : memref<10240xi32, #tpu.memory_space<vmem>> -> memref<640xi32, #tpu.memory_space<vmem>>
      %dma_start3A_122 = arith.constant 0 : i32
      %dma_start3A_123 = arith.constant 0 : i32
      %dma_start3A_124 = tpu.memref_slice %arg3[%dma_start3A_122, %dma_start3A_123] : memref<1000000x64xf32, #tpu.memory_space<hbm>> -> memref<1000000x64xf32, #tpu.memory_space<hbm>>
      tpu.enqueue_indirect_dma source(%dma_start3A_124 : memref<1000000x64xf32, #tpu.memory_space<hbm>>) target(%arg15 : memref<640x64xf32, #tpu.memory_space<vmem>>) offsets(%dma_start3A_121 : memref<640xi32, #tpu.memory_space<vmem>>) semaphore(%arg22 : memref<!tpu.dma_semaphore, #tpu.memory_space<semaphore_mem>>)
      %mul3A_125 = arith.constant 32 : i32
      %mul3A_126 = arith.muli %add3A_56, %mul3A_125 : i32
      %dma_wait3A_127 = tpu.memref_slice %arg8[%mul3A_126] : memref<512xi32, #tpu.memory_space<vmem>> -> memref<32xi32, #tpu.memory_space<vmem>>
      %dma_wait3A_128 = arith.constant 0 : i32
      %dma_wait3A_129 = arith.constant 0 : i32
      %dma_wait3A_130 = tpu.memref_slice %arg2[%dma_wait3A_128, %dma_wait3A_129] : memref<1000000x64xf32, #tpu.memory_space<hbm>> -> memref<1000000x64xf32, #tpu.memory_space<hbm>>
      tpu.wait_indirect_dma semaphore(%arg19 : memref<!tpu.dma_semaphore, #tpu.memory_space<semaphore_mem>>) src(%dma_wait3A_130 : memref<1000000x64xf32, #tpu.memory_space<hbm>>) dst(%arg12 : memref<32x64xf32, #tpu.memory_space<vmem>>)
      %mul3A_131 = arith.constant 32 : i32
      %mul3A_132 = arith.muli %add3A_56, %mul3A_131 : i32
      %dma_wait3A_133 = tpu.memref_slice %arg9[%mul3A_132] : memref<512xi32, #tpu.memory_space<vmem>> -> memref<32xi32, #tpu.memory_space<vmem>>
      %dma_wait3A_134 = arith.constant 0 : i32
      %dma_wait3A_135 = arith.constant 0 : i32
      %dma_wait3A_136 = tpu.memref_slice %arg3[%dma_wait3A_134, %dma_wait3A_135] : memref<1000000x64xf32, #tpu.memory_space<hbm>> -> memref<1000000x64xf32, #tpu.memory_space<hbm>>
      tpu.wait_indirect_dma semaphore(%arg21 : memref<!tpu.dma_semaphore, #tpu.memory_space<semaphore_mem>>) src(%dma_wait3A_136 : memref<1000000x64xf32, #tpu.memory_space<hbm>>) dst(%arg14 : memref<32x64xf32, #tpu.memory_space<vmem>>)
      %mul3A_137 = arith.constant 640 : i32
      %mul3A_138 = arith.muli %add3A_56, %mul3A_137 : i32
      %dma_wait3A_139 = tpu.memref_slice %arg10[%mul3A_138] : memref<10240xi32, #tpu.memory_space<vmem>> -> memref<640xi32, #tpu.memory_space<vmem>>
      %dma_wait3A_140 = arith.constant 0 : i32
      %dma_wait3A_141 = arith.constant 0 : i32
      %dma_wait3A_142 = tpu.memref_slice %arg3[%dma_wait3A_140, %dma_wait3A_141] : memref<1000000x64xf32, #tpu.memory_space<hbm>> -> memref<1000000x64xf32, #tpu.memory_space<hbm>>
      tpu.wait_indirect_dma semaphore(%arg23 : memref<!tpu.dma_semaphore, #tpu.memory_space<semaphore_mem>>) src(%dma_wait3A_142 : memref<1000000x64xf32, #tpu.memory_space<hbm>>) dst(%arg16 : memref<640x64xf32, #tpu.memory_space<vmem>>)
      %mul3A_143 = arith.constant 32 : i32
      %mul3A_144 = arith.muli %add3A_56, %mul3A_143 : i32
      %add3A_145 = arith.addi %mul3A_2, %mul3A_144 : i32
      %scan3A_146 = arith.constant 0 : i32
      %scan3A_147 = arith.constant 0 : i32
      %scan3A_148 = arith.constant 32 : i32
      %scan3A_149 = arith.addi %scan3A_147, %scan3A_148 : i32
      %scan3A_150 = arith.constant 1 : i32
      scf.for %scan3A_154 = %scan3A_147 to %scan3A_149 step %scan3A_150  : i32 {
        %get3A = arith.index_cast %scan3A_154 : i32 to index
        %get3A_155 = arith.constant 0 : index
        %get3A_156 = tpu.vector_load %arg12[%get3A, %get3A_155] {strides = array<i32>} : memref<32x64xf32, #tpu.memory_space<vmem>>, vector<16xf32>,
        %get3A_157 = arith.index_cast %scan3A_154 : i32 to index
        %get3A_158 = arith.constant 16 : index
        %get3A_159 = tpu.vector_load %arg12[%get3A_157, %get3A_158] {strides = array<i32>} : memref<32x64xf32, #tpu.memory_space<vmem>>, vector<16xf32>,
        %get3A_160 = arith.index_cast %scan3A_154 : i32 to index
        %get3A_161 = arith.constant 32 : index
        %get3A_162 = tpu.vector_load %arg12[%get3A_160, %get3A_161] {strides = array<i32>} : memref<32x64xf32, #tpu.memory_space<vmem>>, vector<16xf32>,
        %get3A_163 = arith.index_cast %scan3A_154 : i32 to index
        %get3A_164 = arith.constant 48 : index
        %get3A_165 = tpu.vector_load %arg12[%get3A_163, %get3A_164] {strides = array<i32>} : memref<32x64xf32, #tpu.memory_space<vmem>>, vector<16xf32>,
        %broadcast_in_dim3A = arith.constant 0.000000e+00 : f32
        %broadcast_in_dim3A_166 = vector.broadcast %broadcast_in_dim3A : f32 to vector<16xf32>
        %broadcast_in_dim3A_167 = arith.constant 0.000000e+00 : f32
        %broadcast_in_dim3A_168 = vector.broadcast %broadcast_in_dim3A_167 : f32 to vector<16xf32>
        %get3A_169 = arith.index_cast %scan3A_154 : i32 to index
        %get3A_170 = arith.constant 0 : index
        %get3A_171 = tpu.vector_load %arg14[%get3A_169, %get3A_170] {strides = array<i32>} : memref<32x64xf32, #tpu.memory_space<vmem>>, vector<16xf32>,
        %mul3A_172 = arith.mulf %get3A_156, %get3A_171 : vector<16xf32>
        %get3A_173 = arith.index_cast %scan3A_154 : i32 to index
        %get3A_174 = arith.constant 16 : index
        %get3A_175 = tpu.vector_load %arg14[%get3A_173, %get3A_174] {strides = array<i32>} : memref<32x64xf32, #tpu.memory_space<vmem>>, vector<16xf32>,
        %mul3A_176 = arith.mulf %get3A_159, %get3A_175 : vector<16xf32>
        %add3A_177 = arith.addf %mul3A_172, %mul3A_176 : vector<16xf32>
        %get3A_178 = arith.index_cast %scan3A_154 : i32 to index
        %get3A_179 = arith.constant 32 : index
        %get3A_180 = tpu.vector_load %arg14[%get3A_178, %get3A_179] {strides = array<i32>} : memref<32x64xf32, #tpu.memory_space<vmem>>, vector<16xf32>,
        %mul3A_181 = arith.mulf %get3A_162, %get3A_180 : vector<16xf32>
        %add3A_182 = arith.addf %add3A_177, %mul3A_181 : vector<16xf32>
        %get3A_183 = arith.index_cast %scan3A_154 : i32 to index
        %get3A_184 = arith.constant 48 : index
        %get3A_185 = tpu.vector_load %arg14[%get3A_183, %get3A_184] {strides = array<i32>} : memref<32x64xf32, #tpu.memory_space<vmem>>, vector<16xf32>,
        %mul3A_186 = arith.mulf %get3A_165, %get3A_185 : vector<16xf32>
        %add3A_187 = arith.addf %add3A_182, %mul3A_186 : vector<16xf32>
        %reduce_sum3A = arith.constant true
        %reduce_sum3A_188 = vector.broadcast %reduce_sum3A : i1 to vector<16xi1>
        %reduce_sum3A_189 = tpu.scan <sum>, %add3A_187 masked %reduce_sum3A_188 : vector<16xf32>, vector<16xi1> -> vector<16xf32>
        %reduce_sum3A_190 = vector.extract %reduce_sum3A_189[15] : f32 from vector<16xf32>
        %eq3A = arith.constant 0 : i32
        %eq3A_191 = vector.broadcast %eq3A : i32 to vector<16xi32>
        %eq3A_192 = arith.cmpi eq, %iota3A, %eq3A_191 : vector<16xi32>
        %broadcast_in_dim3A_193 = vector.broadcast %reduce_sum3A_190 : f32 to vector<16xf32>
        %select_n3A = arith.select %eq3A_192, %broadcast_in_dim3A_193, %broadcast_in_dim3A_166 : vector<16xi1>, vector<16xf32>
        %mul3A_194 = arith.constant 20 : i32
        %mul3A_195 = arith.muli %scan3A_154, %mul3A_194 : i32
        %add3A_196 = arith.constant 0 : i32
        %add3A_197 = arith.addi %mul3A_195, %add3A_196 : i32
        %get3A_198 = arith.index_cast %add3A_197 : i32 to index
        %get3A_199 = arith.constant 0 : index
        %get3A_200 = tpu.vector_load %arg16[%get3A_198, %get3A_199] {strides = array<i32>} : memref<640x64xf32, #tpu.memory_space<vmem>>, vector<16xf32>,
        %mul3A_201 = arith.mulf %get3A_156, %get3A_200 : vector<16xf32>
        %get3A_202 = arith.index_cast %add3A_197 : i32 to index
        %get3A_203 = arith.constant 16 : index
        %get3A_204 = tpu.vector_load %arg16[%get3A_202, %get3A_203] {strides = array<i32>} : memref<640x64xf32, #tpu.memory_space<vmem>>, vector<16xf32>,
        %mul3A_205 = arith.mulf %get3A_159, %get3A_204 : vector<16xf32>
        %add3A_206 = arith.addf %mul3A_201, %mul3A_205 : vector<16xf32>
        %get3A_207 = arith.index_cast %add3A_197 : i32 to index
        %get3A_208 = arith.constant 32 : index
        %get3A_209 = tpu.vector_load %arg16[%get3A_207, %get3A_208] {strides = array<i32>} : memref<640x64xf32, #tpu.memory_space<vmem>>, vector<16xf32>,
        %mul3A_210 = arith.mulf %get3A_162, %get3A_209 : vector<16xf32>
        %add3A_211 = arith.addf %add3A_206, %mul3A_210 : vector<16xf32>
        %get3A_212 = arith.index_cast %add3A_197 : i32 to index
        %get3A_213 = arith.constant 48 : index
        %get3A_214 = tpu.vector_load %arg16[%get3A_212, %get3A_213] {strides = array<i32>} : memref<640x64xf32, #tpu.memory_space<vmem>>, vector<16xf32>,
        %mul3A_215 = arith.mulf %get3A_165, %get3A_214 : vector<16xf32>
        %add3A_216 = arith.addf %add3A_211, %mul3A_215 : vector<16xf32>
        %reduce_sum3A_217 = arith.constant true
        %reduce_sum3A_218 = vector.broadcast %reduce_sum3A_217 : i1 to vector<16xi1>
        %reduce_sum3A_219 = tpu.scan <sum>, %add3A_216 masked %reduce_sum3A_218 : vector<16xf32>, vector<16xi1> -> vector<16xf32>
        %reduce_sum3A_220 = vector.extract %reduce_sum3A_219[15] : f32 from vector<16xf32>
        %eq3A_221 = arith.constant 1 : i32
        %eq3A_222 = vector.broadcast %eq3A_221 : i32 to vector<16xi32>
        %eq3A_223 = arith.cmpi eq, %iota3A, %eq3A_222 : vector<16xi32>
        %broadcast_in_dim3A_224 = vector.broadcast %reduce_sum3A_220 : f32 to vector<16xf32>
        %select_n3A_225 = arith.select %eq3A_223, %broadcast_in_dim3A_224, %select_n3A : vector<16xi1>, vector<16xf32>
        %mul3A_226 = arith.constant 20 : i32
        %mul3A_227 = arith.muli %scan3A_154, %mul3A_226 : i32
        %add3A_228 = arith.constant 1 : i32
        %add3A_229 = arith.addi %mul3A_227, %add3A_228 : i32
        %get3A_230 = arith.index_cast %add3A_229 : i32 to index
        %get3A_231 = arith.constant 0 : index
        %get3A_232 = tpu.vector_load %arg16[%get3A_230, %get3A_231] {strides = array<i32>} : memref<640x64xf32, #tpu.memory_space<vmem>>, vector<16xf32>,
        %mul3A_233 = arith.mulf %get3A_156, %get3A_232 : vector<16xf32>
        %get3A_234 = arith.index_cast %add3A_229 : i32 to index
        %get3A_235 = arith.constant 16 : index
        %get3A_236 = tpu.vector_load %arg16[%get3A_234, %get3A_235] {strides = array<i32>} : memref<640x64xf32, #tpu.memory_space<vmem>>, vector<16xf32>,
        %mul3A_237 = arith.mulf %get3A_159, %get3A_236 : vector<16xf32>
        %add3A_238 = arith.addf %mul3A_233, %mul3A_237 : vector<16xf32>
        %get3A_239 = arith.index_cast %add3A_229 : i32 to index
        %get3A_240 = arith.constant 32 : index
        %get3A_241 = tpu.vector_load %arg16[%get3A_239, %get3A_240] {strides = array<i32>} : memref<640x64xf32, #tpu.memory_space<vmem>>, vector<16xf32>,
        %mul3A_242 = arith.mulf %get3A_162, %get3A_241 : vector<16xf32>
        %add3A_243 = arith.addf %add3A_238, %mul3A_242 : vector<16xf32>
        %get3A_244 = arith.index_cast %add3A_229 : i32 to index
        %get3A_245 = arith.constant 48 : index
        %get3A_246 = tpu.vector_load %arg16[%get3A_244, %get3A_245] {strides = array<i32>} : memref<640x64xf32, #tpu.memory_space<vmem>>, vector<16xf32>,
        %mul3A_247 = arith.mulf %get3A_165, %get3A_246 : vector<16xf32>
        %add3A_248 = arith.addf %add3A_243, %mul3A_247 : vector<16xf32>
        %reduce_sum3A_249 = arith.constant true
        %reduce_sum3A_250 = vector.broadcast %reduce_sum3A_249 : i1 to vector<16xi1>
        %reduce_sum3A_251 = tpu.scan <sum>, %add3A_248 masked %reduce_sum3A_250 : vector<16xf32>, vector<16xi1> -> vector<16xf32>
        %reduce_sum3A_252 = vector.extract %reduce_sum3A_251[15] : f32 from vector<16xf32>
        %eq3A_253 = arith.constant 2 : i32
        %eq3A_254 = vector.broadcast %eq3A_253 : i32 to vector<16xi32>
        %eq3A_255 = arith.cmpi eq, %iota3A, %eq3A_254 : vector<16xi32>
        %broadcast_in_dim3A_256 = vector.broadcast %reduce_sum3A_252 : f32 to vector<16xf32>
        %select_n3A_257 = arith.select %eq3A_255, %broadcast_in_dim3A_256, %select_n3A_225 : vector<16xi1>, vector<16xf32>
        %mul3A_258 = arith.constant 20 : i32
        %mul3A_259 = arith.muli %scan3A_154, %mul3A_258 : i32
        %add3A_260 = arith.constant 2 : i32
        %add3A_261 = arith.addi %mul3A_259, %add3A_260 : i32
        %get3A_262 = arith.index_cast %add3A_261 : i32 to index
        %get3A_263 = arith.constant 0 : index
        %get3A_264 = tpu.vector_load %arg16[%get3A_262, %get3A_263] {strides = array<i32>} : memref<640x64xf32, #tpu.memory_space<vmem>>, vector<16xf32>,
        %mul3A_265 = arith.mulf %get3A_156, %get3A_264 : vector<16xf32>
        %get3A_266 = arith.index_cast %add3A_261 : i32 to index
        %get3A_267 = arith.constant 16 : index
        %get3A_268 = tpu.vector_load %arg16[%get3A_266, %get3A_267] {strides = array<i32>} : memref<640x64xf32, #tpu.memory_space<vmem>>, vector<16xf32>,
        %mul3A_269 = arith.mulf %get3A_159, %get3A_268 : vector<16xf32>
        %add3A_270 = arith.addf %mul3A_265, %mul3A_269 : vector<16xf32>
        %get3A_271 = arith.index_cast %add3A_261 : i32 to index
        %get3A_272 = arith.constant 32 : index
        %get3A_273 = tpu.vector_load %arg16[%get3A_271, %get3A_272] {strides = array<i32>} : memref<640x64xf32, #tpu.memory_space<vmem>>, vector<16xf32>,
        %mul3A_274 = arith.mulf %get3A_162, %get3A_273 : vector<16xf32>
        %add3A_275 = arith.addf %add3A_270, %mul3A_274 : vector<16xf32>
        %get3A_276 = arith.index_cast %add3A_261 : i32 to index
        %get3A_277 = arith.constant 48 : index
        %get3A_278 = tpu.vector_load %arg16[%get3A_276, %get3A_277] {strides = array<i32>} : memref<640x64xf32, #tpu.memory_space<vmem>>, vector<16xf32>,
        %mul3A_279 = arith.mulf %get3A_165, %get3A_278 : vector<16xf32>
        %add3A_280 = arith.addf %add3A_275, %mul3A_279 : vector<16xf32>
        %reduce_sum3A_281 = arith.constant true
        %reduce_sum3A_282 = vector.broadcast %reduce_sum3A_281 : i1 to vector<16xi1>
        %reduce_sum3A_283 = tpu.scan <sum>, %add3A_280 masked %reduce_sum3A_282 : vector<16xf32>, vector<16xi1> -> vector<16xf32>
        %reduce_sum3A_284 = vector.extract %reduce_sum3A_283[15] : f32 from vector<16xf32>
        %eq3A_285 = arith.constant 3 : i32
        %eq3A_286 = vector.broadcast %eq3A_285 : i32 to vector<16xi32>
        %eq3A_287 = arith.cmpi eq, %iota3A, %eq3A_286 : vector<16xi32>
        %broadcast_in_dim3A_288 = vector.broadcast %reduce_sum3A_284 : f32 to vector<16xf32>
        %select_n3A_289 = arith.select %eq3A_287, %broadcast_in_dim3A_288, %select_n3A_257 : vector<16xi1>, vector<16xf32>
        %mul3A_290 = arith.constant 20 : i32
        %mul3A_291 = arith.muli %scan3A_154, %mul3A_290 : i32
        %add3A_292 = arith.constant 3 : i32
        %add3A_293 = arith.addi %mul3A_291, %add3A_292 : i32
        %get3A_294 = arith.index_cast %add3A_293 : i32 to index
        %get3A_295 = arith.constant 0 : index
        %get3A_296 = tpu.vector_load %arg16[%get3A_294, %get3A_295] {strides = array<i32>} : memref<640x64xf32, #tpu.memory_space<vmem>>, vector<16xf32>,
        %mul3A_297 = arith.mulf %get3A_156, %get3A_296 : vector<16xf32>
        %get3A_298 = arith.index_cast %add3A_293 : i32 to index
        %get3A_299 = arith.constant 16 : index
        %get3A_300 = tpu.vector_load %arg16[%get3A_298, %get3A_299] {strides = array<i32>} : memref<640x64xf32, #tpu.memory_space<vmem>>, vector<16xf32>,
        %mul3A_301 = arith.mulf %get3A_159, %get3A_300 : vector<16xf32>
        %add3A_302 = arith.addf %mul3A_297, %mul3A_301 : vector<16xf32>
        %get3A_303 = arith.index_cast %add3A_293 : i32 to index
        %get3A_304 = arith.constant 32 : index
        %get3A_305 = tpu.vector_load %arg16[%get3A_303, %get3A_304] {strides = array<i32>} : memref<640x64xf32, #tpu.memory_space<vmem>>, vector<16xf32>,
        %mul3A_306 = arith.mulf %get3A_162, %get3A_305 : vector<16xf32>
        %add3A_307 = arith.addf %add3A_302, %mul3A_306 : vector<16xf32>
        %get3A_308 = arith.index_cast %add3A_293 : i32 to index
        %get3A_309 = arith.constant 48 : index
        %get3A_310 = tpu.vector_load %arg16[%get3A_308, %get3A_309] {strides = array<i32>} : memref<640x64xf32, #tpu.memory_space<vmem>>, vector<16xf32>,
        %mul3A_311 = arith.mulf %get3A_165, %get3A_310 : vector<16xf32>
        %add3A_312 = arith.addf %add3A_307, %mul3A_311 : vector<16xf32>
        %reduce_sum3A_313 = arith.constant true
        %reduce_sum3A_314 = vector.broadcast %reduce_sum3A_313 : i1 to vector<16xi1>
        %reduce_sum3A_315 = tpu.scan <sum>, %add3A_312 masked %reduce_sum3A_314 : vector<16xf32>, vector<16xi1> -> vector<16xf32>
        %reduce_sum3A_316 = vector.extract %reduce_sum3A_315[15] : f32 from vector<16xf32>
        %eq3A_317 = arith.constant 4 : i32
        %eq3A_318 = vector.broadcast %eq3A_317 : i32 to vector<16xi32>
        %eq3A_319 = arith.cmpi eq, %iota3A, %eq3A_318 : vector<16xi32>
        %broadcast_in_dim3A_320 = vector.broadcast %reduce_sum3A_316 : f32 to vector<16xf32>
        %select_n3A_321 = arith.select %eq3A_319, %broadcast_in_dim3A_320, %select_n3A_289 : vector<16xi1>, vector<16xf32>
        %mul3A_322 = arith.constant 20 : i32
        %mul3A_323 = arith.muli %scan3A_154, %mul3A_322 : i32
        %add3A_324 = arith.constant 4 : i32
        %add3A_325 = arith.addi %mul3A_323, %add3A_324 : i32
        %get3A_326 = arith.index_cast %add3A_325 : i32 to index
        %get3A_327 = arith.constant 0 : index
        %get3A_328 = tpu.vector_load %arg16[%get3A_326, %get3A_327] {strides = array<i32>} : memref<640x64xf32, #tpu.memory_space<vmem>>, vector<16xf32>,
        %mul3A_329 = arith.mulf %get3A_156, %get3A_328 : vector<16xf32>
        %get3A_330 = arith.index_cast %add3A_325 : i32 to index
        %get3A_331 = arith.constant 16 : index
        %get3A_332 = tpu.vector_load %arg16[%get3A_330, %get3A_331] {strides = array<i32>} : memref<640x64xf32, #tpu.memory_space<vmem>>, vector<16xf32>,
        %mul3A_333 = arith.mulf %get3A_159, %get3A_332 : vector<16xf32>
        %add3A_334 = arith.addf %mul3A_329, %mul3A_333 : vector<16xf32>
        %get3A_335 = arith.index_cast %add3A_325 : i32 to index
        %get3A_336 = arith.constant 32 : index
        %get3A_337 = tpu.vector_load %arg16[%get3A_335, %get3A_336] {strides = array<i32>} : memref<640x64xf32, #tpu.memory_space<vmem>>, vector<16xf32>,
        %mul3A_338 = arith.mulf %get3A_162, %get3A_337 : vector<16xf32>
        %add3A_339 = arith.addf %add3A_334, %mul3A_338 : vector<16xf32>
        %get3A_340 = arith.index_cast %add3A_325 : i32 to index
        %get3A_341 = arith.constant 48 : index
        %get3A_342 = tpu.vector_load %arg16[%get3A_340, %get3A_341] {strides = array<i32>} : memref<640x64xf32, #tpu.memory_space<vmem>>, vector<16xf32>,
        %mul3A_343 = arith.mulf %get3A_165, %get3A_342 : vector<16xf32>
        %add3A_344 = arith.addf %add3A_339, %mul3A_343 : vector<16xf32>
        %reduce_sum3A_345 = arith.constant true
        %reduce_sum3A_346 = vector.broadcast %reduce_sum3A_345 : i1 to vector<16xi1>
        %reduce_sum3A_347 = tpu.scan <sum>, %add3A_344 masked %reduce_sum3A_346 : vector<16xf32>, vector<16xi1> -> vector<16xf32>
        %reduce_sum3A_348 = vector.extract %reduce_sum3A_347[15] : f32 from vector<16xf32>
        %eq3A_349 = arith.constant 5 : i32
        %eq3A_350 = vector.broadcast %eq3A_349 : i32 to vector<16xi32>
        %eq3A_351 = arith.cmpi eq, %iota3A, %eq3A_350 : vector<16xi32>
        %broadcast_in_dim3A_352 = vector.broadcast %reduce_sum3A_348 : f32 to vector<16xf32>
        %select_n3A_353 = arith.select %eq3A_351, %broadcast_in_dim3A_352, %select_n3A_321 : vector<16xi1>, vector<16xf32>
        %mul3A_354 = arith.constant 20 : i32
        %mul3A_355 = arith.muli %scan3A_154, %mul3A_354 : i32
        %add3A_356 = arith.constant 5 : i32
        %add3A_357 = arith.addi %mul3A_355, %add3A_356 : i32
        %get3A_358 = arith.index_cast %add3A_357 : i32 to index
        %get3A_359 = arith.constant 0 : index
        %get3A_360 = tpu.vector_load %arg16[%get3A_358, %get3A_359] {strides = array<i32>} : memref<640x64xf32, #tpu.memory_space<vmem>>, vector<16xf32>,
        %mul3A_361 = arith.mulf %get3A_156, %get3A_360 : vector<16xf32>
        %get3A_362 = arith.index_cast %add3A_357 : i32 to index
        %get3A_363 = arith.constant 16 : index
        %get3A_364 = tpu.vector_load %arg16[%get3A_362, %get3A_363] {strides = array<i32>} : memref<640x64xf32, #tpu.memory_space<vmem>>, vector<16xf32>,
        %mul3A_365 = arith.mulf %get3A_159, %get3A_364 : vector<16xf32>
        %add3A_366 = arith.addf %mul3A_361, %mul3A_365 : vector<16xf32>
        %get3A_367 = arith.index_cast %add3A_357 : i32 to index
        %get3A_368 = arith.constant 32 : index
        %get3A_369 = tpu.vector_load %arg16[%get3A_367, %get3A_368] {strides = array<i32>} : memref<640x64xf32, #tpu.memory_space<vmem>>, vector<16xf32>,
        %mul3A_370 = arith.mulf %get3A_162, %get3A_369 : vector<16xf32>
        %add3A_371 = arith.addf %add3A_366, %mul3A_370 : vector<16xf32>
        %get3A_372 = arith.index_cast %add3A_357 : i32 to index
        %get3A_373 = arith.constant 48 : index
        %get3A_374 = tpu.vector_load %arg16[%get3A_372, %get3A_373] {strides = array<i32>} : memref<640x64xf32, #tpu.memory_space<vmem>>, vector<16xf32>,
        %mul3A_375 = arith.mulf %get3A_165, %get3A_374 : vector<16xf32>
        %add3A_376 = arith.addf %add3A_371, %mul3A_375 : vector<16xf32>
        %reduce_sum3A_377 = arith.constant true
        %reduce_sum3A_378 = vector.broadcast %reduce_sum3A_377 : i1 to vector<16xi1>
        %reduce_sum3A_379 = tpu.scan <sum>, %add3A_376 masked %reduce_sum3A_378 : vector<16xf32>, vector<16xi1> -> vector<16xf32>
        %reduce_sum3A_380 = vector.extract %reduce_sum3A_379[15] : f32 from vector<16xf32>
        %eq3A_381 = arith.constant 6 : i32
        %eq3A_382 = vector.broadcast %eq3A_381 : i32 to vector<16xi32>
        %eq3A_383 = arith.cmpi eq, %iota3A, %eq3A_382 : vector<16xi32>
        %broadcast_in_dim3A_384 = vector.broadcast %reduce_sum3A_380 : f32 to vector<16xf32>
        %select_n3A_385 = arith.select %eq3A_383, %broadcast_in_dim3A_384, %select_n3A_353 : vector<16xi1>, vector<16xf32>
        %mul3A_386 = arith.constant 20 : i32
        %mul3A_387 = arith.muli %scan3A_154, %mul3A_386 : i32
        %add3A_388 = arith.constant 6 : i32
        %add3A_389 = arith.addi %mul3A_387, %add3A_388 : i32
        %get3A_390 = arith.index_cast %add3A_389 : i32 to index
        %get3A_391 = arith.constant 0 : index
        %get3A_392 = tpu.vector_load %arg16[%get3A_390, %get3A_391] {strides = array<i32>} : memref<640x64xf32, #tpu.memory_space<vmem>>, vector<16xf32>,
        %mul3A_393 = arith.mulf %get3A_156, %get3A_392 : vector<16xf32>
        %get3A_394 = arith.index_cast %add3A_389 : i32 to index
        %get3A_395 = arith.constant 16 : index
        %get3A_396 = tpu.vector_load %arg16[%get3A_394, %get3A_395] {strides = array<i32>} : memref<640x64xf32, #tpu.memory_space<vmem>>, vector<16xf32>,
        %mul3A_397 = arith.mulf %get3A_159, %get3A_396 : vector<16xf32>
        %add3A_398 = arith.addf %mul3A_393, %mul3A_397 : vector<16xf32>
        %get3A_399 = arith.index_cast %add3A_389 : i32 to index
        %get3A_400 = arith.constant 32 : index
        %get3A_401 = tpu.vector_load %arg16[%get3A_399, %get3A_400] {strides = array<i32>} : memref<640x64xf32, #tpu.memory_space<vmem>>, vector<16xf32>,
        %mul3A_402 = arith.mulf %get3A_162, %get3A_401 : vector<16xf32>
        %add3A_403 = arith.addf %add3A_398, %mul3A_402 : vector<16xf32>
        %get3A_404 = arith.index_cast %add3A_389 : i32 to index
        %get3A_405 = arith.constant 48 : index
        %get3A_406 = tpu.vector_load %arg16[%get3A_404, %get3A_405] {strides = array<i32>} : memref<640x64xf32, #tpu.memory_space<vmem>>, vector<16xf32>,
        %mul3A_407 = arith.mulf %get3A_165, %get3A_406 : vector<16xf32>
        %add3A_408 = arith.addf %add3A_403, %mul3A_407 : vector<16xf32>
        %reduce_sum3A_409 = arith.constant true
        %reduce_sum3A_410 = vector.broadcast %reduce_sum3A_409 : i1 to vector<16xi1>
        %reduce_sum3A_411 = tpu.scan <sum>, %add3A_408 masked %reduce_sum3A_410 : vector<16xf32>, vector<16xi1> -> vector<16xf32>
        %reduce_sum3A_412 = vector.extract %reduce_sum3A_411[15] : f32 from vector<16xf32>
        %eq3A_413 = arith.constant 7 : i32
        %eq3A_414 = vector.broadcast %eq3A_413 : i32 to vector<16xi32>
        %eq3A_415 = arith.cmpi eq, %iota3A, %eq3A_414 : vector<16xi32>
        %broadcast_in_dim3A_416 = vector.broadcast %reduce_sum3A_412 : f32 to vector<16xf32>
        %select_n3A_417 = arith.select %eq3A_415, %broadcast_in_dim3A_416, %select_n3A_385 : vector<16xi1>, vector<16xf32>
        %mul3A_418 = arith.constant 20 : i32
        %mul3A_419 = arith.muli %scan3A_154, %mul3A_418 : i32
        %add3A_420 = arith.constant 7 : i32
        %add3A_421 = arith.addi %mul3A_419, %add3A_420 : i32
        %get3A_422 = arith.index_cast %add3A_421 : i32 to index
        %get3A_423 = arith.constant 0 : index
        %get3A_424 = tpu.vector_load %arg16[%get3A_422, %get3A_423] {strides = array<i32>} : memref<640x64xf32, #tpu.memory_space<vmem>>, vector<16xf32>,
        %mul3A_425 = arith.mulf %get3A_156, %get3A_424 : vector<16xf32>
        %get3A_426 = arith.index_cast %add3A_421 : i32 to index
        %get3A_427 = arith.constant 16 : index
        %get3A_428 = tpu.vector_load %arg16[%get3A_426, %get3A_427] {strides = array<i32>} : memref<640x64xf32, #tpu.memory_space<vmem>>, vector<16xf32>,
        %mul3A_429 = arith.mulf %get3A_159, %get3A_428 : vector<16xf32>
        %add3A_430 = arith.addf %mul3A_425, %mul3A_429 : vector<16xf32>
        %get3A_431 = arith.index_cast %add3A_421 : i32 to index
        %get3A_432 = arith.constant 32 : index
        %get3A_433 = tpu.vector_load %arg16[%get3A_431, %get3A_432] {strides = array<i32>} : memref<640x64xf32, #tpu.memory_space<vmem>>, vector<16xf32>,
        %mul3A_434 = arith.mulf %get3A_162, %get3A_433 : vector<16xf32>
        %add3A_435 = arith.addf %add3A_430, %mul3A_434 : vector<16xf32>
        %get3A_436 = arith.index_cast %add3A_421 : i32 to index
        %get3A_437 = arith.constant 48 : index
        %get3A_438 = tpu.vector_load %arg16[%get3A_436, %get3A_437] {strides = array<i32>} : memref<640x64xf32, #tpu.memory_space<vmem>>, vector<16xf32>,
        %mul3A_439 = arith.mulf %get3A_165, %get3A_438 : vector<16xf32>
        %add3A_440 = arith.addf %add3A_435, %mul3A_439 : vector<16xf32>
        %reduce_sum3A_441 = arith.constant true
        %reduce_sum3A_442 = vector.broadcast %reduce_sum3A_441 : i1 to vector<16xi1>
        %reduce_sum3A_443 = tpu.scan <sum>, %add3A_440 masked %reduce_sum3A_442 : vector<16xf32>, vector<16xi1> -> vector<16xf32>
        %reduce_sum3A_444 = vector.extract %reduce_sum3A_443[15] : f32 from vector<16xf32>
        %eq3A_445 = arith.constant 8 : i32
        %eq3A_446 = vector.broadcast %eq3A_445 : i32 to vector<16xi32>
        %eq3A_447 = arith.cmpi eq, %iota3A, %eq3A_446 : vector<16xi32>
        %broadcast_in_dim3A_448 = vector.broadcast %reduce_sum3A_444 : f32 to vector<16xf32>
        %select_n3A_449 = arith.select %eq3A_447, %broadcast_in_dim3A_448, %select_n3A_417 : vector<16xi1>, vector<16xf32>
        %mul3A_450 = arith.constant 20 : i32
        %mul3A_451 = arith.muli %scan3A_154, %mul3A_450 : i32
        %add3A_452 = arith.constant 8 : i32
        %add3A_453 = arith.addi %mul3A_451, %add3A_452 : i32
        %get3A_454 = arith.index_cast %add3A_453 : i32 to index
        %get3A_455 = arith.constant 0 : index
        %get3A_456 = tpu.vector_load %arg16[%get3A_454, %get3A_455] {strides = array<i32>} : memref<640x64xf32, #tpu.memory_space<vmem>>, vector<16xf32>,
        %mul3A_457 = arith.mulf %get3A_156, %get3A_456 : vector<16xf32>
        %get3A_458 = arith.index_cast %add3A_453 : i32 to index
        %get3A_459 = arith.constant 16 : index
        %get3A_460 = tpu.vector_load %arg16[%get3A_458, %get3A_459] {strides = array<i32>} : memref<640x64xf32, #tpu.memory_space<vmem>>, vector<16xf32>,
        %mul3A_461 = arith.mulf %get3A_159, %get3A_460 : vector<16xf32>
        %add3A_462 = arith.addf %mul3A_457, %mul3A_461 : vector<16xf32>
        %get3A_463 = arith.index_cast %add3A_453 : i32 to index
        %get3A_464 = arith.constant 32 : index
        %get3A_465 = tpu.vector_load %arg16[%get3A_463, %get3A_464] {strides = array<i32>} : memref<640x64xf32, #tpu.memory_space<vmem>>, vector<16xf32>,
        %mul3A_466 = arith.mulf %get3A_162, %get3A_465 : vector<16xf32>
        %add3A_467 = arith.addf %add3A_462, %mul3A_466 : vector<16xf32>
        %get3A_468 = arith.index_cast %add3A_453 : i32 to index
        %get3A_469 = arith.constant 48 : index
        %get3A_470 = tpu.vector_load %arg16[%get3A_468, %get3A_469] {strides = array<i32>} : memref<640x64xf32, #tpu.memory_space<vmem>>, vector<16xf32>,
        %mul3A_471 = arith.mulf %get3A_165, %get3A_470 : vector<16xf32>
        %add3A_472 = arith.addf %add3A_467, %mul3A_471 : vector<16xf32>
        %reduce_sum3A_473 = arith.constant true
        %reduce_sum3A_474 = vector.broadcast %reduce_sum3A_473 : i1 to vector<16xi1>
        %reduce_sum3A_475 = tpu.scan <sum>, %add3A_472 masked %reduce_sum3A_474 : vector<16xf32>, vector<16xi1> -> vector<16xf32>
        %reduce_sum3A_476 = vector.extract %reduce_sum3A_475[15] : f32 from vector<16xf32>
        %eq3A_477 = arith.constant 9 : i32
        %eq3A_478 = vector.broadcast %eq3A_477 : i32 to vector<16xi32>
        %eq3A_479 = arith.cmpi eq, %iota3A, %eq3A_478 : vector<16xi32>
        %broadcast_in_dim3A_480 = vector.broadcast %reduce_sum3A_476 : f32 to vector<16xf32>
        %select_n3A_481 = arith.select %eq3A_479, %broadcast_in_dim3A_480, %select_n3A_449 : vector<16xi1>, vector<16xf32>
        %mul3A_482 = arith.constant 20 : i32
        %mul3A_483 = arith.muli %scan3A_154, %mul3A_482 : i32
        %add3A_484 = arith.constant 9 : i32
        %add3A_485 = arith.addi %mul3A_483, %add3A_484 : i32
        %get3A_486 = arith.index_cast %add3A_485 : i32 to index
        %get3A_487 = arith.constant 0 : index
        %get3A_488 = tpu.vector_load %arg16[%get3A_486, %get3A_487] {strides = array<i32>} : memref<640x64xf32, #tpu.memory_space<vmem>>, vector<16xf32>,
        %mul3A_489 = arith.mulf %get3A_156, %get3A_488 : vector<16xf32>
        %get3A_490 = arith.index_cast %add3A_485 : i32 to index
        %get3A_491 = arith.constant 16 : index
        %get3A_492 = tpu.vector_load %arg16[%get3A_490, %get3A_491] {strides = array<i32>} : memref<640x64xf32, #tpu.memory_space<vmem>>, vector<16xf32>,
        %mul3A_493 = arith.mulf %get3A_159, %get3A_492 : vector<16xf32>
        %add3A_494 = arith.addf %mul3A_489, %mul3A_493 : vector<16xf32>
        %get3A_495 = arith.index_cast %add3A_485 : i32 to index
        %get3A_496 = arith.constant 32 : index
        %get3A_497 = tpu.vector_load %arg16[%get3A_495, %get3A_496] {strides = array<i32>} : memref<640x64xf32, #tpu.memory_space<vmem>>, vector<16xf32>,
        %mul3A_498 = arith.mulf %get3A_162, %get3A_497 : vector<16xf32>
        %add3A_499 = arith.addf %add3A_494, %mul3A_498 : vector<16xf32>
        %get3A_500 = arith.index_cast %add3A_485 : i32 to index
        %get3A_501 = arith.constant 48 : index
        %get3A_502 = tpu.vector_load %arg16[%get3A_500, %get3A_501] {strides = array<i32>} : memref<640x64xf32, #tpu.memory_space<vmem>>, vector<16xf32>,
        %mul3A_503 = arith.mulf %get3A_165, %get3A_502 : vector<16xf32>
        %add3A_504 = arith.addf %add3A_499, %mul3A_503 : vector<16xf32>
        %reduce_sum3A_505 = arith.constant true
        %reduce_sum3A_506 = vector.broadcast %reduce_sum3A_505 : i1 to vector<16xi1>
        %reduce_sum3A_507 = tpu.scan <sum>, %add3A_504 masked %reduce_sum3A_506 : vector<16xf32>, vector<16xi1> -> vector<16xf32>
        %reduce_sum3A_508 = vector.extract %reduce_sum3A_507[15] : f32 from vector<16xf32>
        %eq3A_509 = arith.constant 10 : i32
        %eq3A_510 = vector.broadcast %eq3A_509 : i32 to vector<16xi32>
        %eq3A_511 = arith.cmpi eq, %iota3A, %eq3A_510 : vector<16xi32>
        %broadcast_in_dim3A_512 = vector.broadcast %reduce_sum3A_508 : f32 to vector<16xf32>
        %select_n3A_513 = arith.select %eq3A_511, %broadcast_in_dim3A_512, %select_n3A_481 : vector<16xi1>, vector<16xf32>
        %mul3A_514 = arith.constant 20 : i32
        %mul3A_515 = arith.muli %scan3A_154, %mul3A_514 : i32
        %add3A_516 = arith.constant 10 : i32
        %add3A_517 = arith.addi %mul3A_515, %add3A_516 : i32
        %get3A_518 = arith.index_cast %add3A_517 : i32 to index
        %get3A_519 = arith.constant 0 : index
        %get3A_520 = tpu.vector_load %arg16[%get3A_518, %get3A_519] {strides = array<i32>} : memref<640x64xf32, #tpu.memory_space<vmem>>, vector<16xf32>,
        %mul3A_521 = arith.mulf %get3A_156, %get3A_520 : vector<16xf32>
        %get3A_522 = arith.index_cast %add3A_517 : i32 to index
        %get3A_523 = arith.constant 16 : index
        %get3A_524 = tpu.vector_load %arg16[%get3A_522, %get3A_523] {strides = array<i32>} : memref<640x64xf32, #tpu.memory_space<vmem>>, vector<16xf32>,
        %mul3A_525 = arith.mulf %get3A_159, %get3A_524 : vector<16xf32>
        %add3A_526 = arith.addf %mul3A_521, %mul3A_525 : vector<16xf32>
        %get3A_527 = arith.index_cast %add3A_517 : i32 to index
        %get3A_528 = arith.constant 32 : index
        %get3A_529 = tpu.vector_load %arg16[%get3A_527, %get3A_528] {strides = array<i32>} : memref<640x64xf32, #tpu.memory_space<vmem>>, vector<16xf32>,
        %mul3A_530 = arith.mulf %get3A_162, %get3A_529 : vector<16xf32>
        %add3A_531 = arith.addf %add3A_526, %mul3A_530 : vector<16xf32>
        %get3A_532 = arith.index_cast %add3A_517 : i32 to index
        %get3A_533 = arith.constant 48 : index
        %get3A_534 = tpu.vector_load %arg16[%get3A_532, %get3A_533] {strides = array<i32>} : memref<640x64xf32, #tpu.memory_space<vmem>>, vector<16xf32>,
        %mul3A_535 = arith.mulf %get3A_165, %get3A_534 : vector<16xf32>
        %add3A_536 = arith.addf %add3A_531, %mul3A_535 : vector<16xf32>
        %reduce_sum3A_537 = arith.constant true
        %reduce_sum3A_538 = vector.broadcast %reduce_sum3A_537 : i1 to vector<16xi1>
        %reduce_sum3A_539 = tpu.scan <sum>, %add3A_536 masked %reduce_sum3A_538 : vector<16xf32>, vector<16xi1> -> vector<16xf32>
        %reduce_sum3A_540 = vector.extract %reduce_sum3A_539[15] : f32 from vector<16xf32>
        %eq3A_541 = arith.constant 11 : i32
        %eq3A_542 = vector.broadcast %eq3A_541 : i32 to vector<16xi32>
        %eq3A_543 = arith.cmpi eq, %iota3A, %eq3A_542 : vector<16xi32>
        %broadcast_in_dim3A_544 = vector.broadcast %reduce_sum3A_540 : f32 to vector<16xf32>
        %select_n3A_545 = arith.select %eq3A_543, %broadcast_in_dim3A_544, %select_n3A_513 : vector<16xi1>, vector<16xf32>
        %mul3A_546 = arith.constant 20 : i32
        %mul3A_547 = arith.muli %scan3A_154, %mul3A_546 : i32
        %add3A_548 = arith.constant 11 : i32
        %add3A_549 = arith.addi %mul3A_547, %add3A_548 : i32
        %get3A_550 = arith.index_cast %add3A_549 : i32 to index
        %get3A_551 = arith.constant 0 : index
        %get3A_552 = tpu.vector_load %arg16[%get3A_550, %get3A_551] {strides = array<i32>} : memref<640x64xf32, #tpu.memory_space<vmem>>, vector<16xf32>,
        %mul3A_553 = arith.mulf %get3A_156, %get3A_552 : vector<16xf32>
        %get3A_554 = arith.index_cast %add3A_549 : i32 to index
        %get3A_555 = arith.constant 16 : index
        %get3A_556 = tpu.vector_load %arg16[%get3A_554, %get3A_555] {strides = array<i32>} : memref<640x64xf32, #tpu.memory_space<vmem>>, vector<16xf32>,
        %mul3A_557 = arith.mulf %get3A_159, %get3A_556 : vector<16xf32>
        %add3A_558 = arith.addf %mul3A_553, %mul3A_557 : vector<16xf32>
        %get3A_559 = arith.index_cast %add3A_549 : i32 to index
        %get3A_560 = arith.constant 32 : index
        %get3A_561 = tpu.vector_load %arg16[%get3A_559, %get3A_560] {strides = array<i32>} : memref<640x64xf32, #tpu.memory_space<vmem>>, vector<16xf32>,
        %mul3A_562 = arith.mulf %get3A_162, %get3A_561 : vector<16xf32>
        %add3A_563 = arith.addf %add3A_558, %mul3A_562 : vector<16xf32>
        %get3A_564 = arith.index_cast %add3A_549 : i32 to index
        %get3A_565 = arith.constant 48 : index
        %get3A_566 = tpu.vector_load %arg16[%get3A_564, %get3A_565] {strides = array<i32>} : memref<640x64xf32, #tpu.memory_space<vmem>>, vector<16xf32>,
        %mul3A_567 = arith.mulf %get3A_165, %get3A_566 : vector<16xf32>
        %add3A_568 = arith.addf %add3A_563, %mul3A_567 : vector<16xf32>
        %reduce_sum3A_569 = arith.constant true
        %reduce_sum3A_570 = vector.broadcast %reduce_sum3A_569 : i1 to vector<16xi1>
        %reduce_sum3A_571 = tpu.scan <sum>, %add3A_568 masked %reduce_sum3A_570 : vector<16xf32>, vector<16xi1> -> vector<16xf32>
        %reduce_sum3A_572 = vector.extract %reduce_sum3A_571[15] : f32 from vector<16xf32>
        %eq3A_573 = arith.constant 12 : i32
        %eq3A_574 = vector.broadcast %eq3A_573 : i32 to vector<16xi32>
        %eq3A_575 = arith.cmpi eq, %iota3A, %eq3A_574 : vector<16xi32>
        %broadcast_in_dim3A_576 = vector.broadcast %reduce_sum3A_572 : f32 to vector<16xf32>
        %select_n3A_577 = arith.select %eq3A_575, %broadcast_in_dim3A_576, %select_n3A_545 : vector<16xi1>, vector<16xf32>
        %mul3A_578 = arith.constant 20 : i32
        %mul3A_579 = arith.muli %scan3A_154, %mul3A_578 : i32
        %add3A_580 = arith.constant 12 : i32
        %add3A_581 = arith.addi %mul3A_579, %add3A_580 : i32
        %get3A_582 = arith.index_cast %add3A_581 : i32 to index
        %get3A_583 = arith.constant 0 : index
        %get3A_584 = tpu.vector_load %arg16[%get3A_582, %get3A_583] {strides = array<i32>} : memref<640x64xf32, #tpu.memory_space<vmem>>, vector<16xf32>,
        %mul3A_585 = arith.mulf %get3A_156, %get3A_584 : vector<16xf32>
        %get3A_586 = arith.index_cast %add3A_581 : i32 to index
        %get3A_587 = arith.constant 16 : index
        %get3A_588 = tpu.vector_load %arg16[%get3A_586, %get3A_587] {strides = array<i32>} : memref<640x64xf32, #tpu.memory_space<vmem>>, vector<16xf32>,
        %mul3A_589 = arith.mulf %get3A_159, %get3A_588 : vector<16xf32>
        %add3A_590 = arith.addf %mul3A_585, %mul3A_589 : vector<16xf32>
        %get3A_591 = arith.index_cast %add3A_581 : i32 to index
        %get3A_592 = arith.constant 32 : index
        %get3A_593 = tpu.vector_load %arg16[%get3A_591, %get3A_592] {strides = array<i32>} : memref<640x64xf32, #tpu.memory_space<vmem>>, vector<16xf32>,
        %mul3A_594 = arith.mulf %get3A_162, %get3A_593 : vector<16xf32>
        %add3A_595 = arith.addf %add3A_590, %mul3A_594 : vector<16xf32>
        %get3A_596 = arith.index_cast %add3A_581 : i32 to index
        %get3A_597 = arith.constant 48 : index
        %get3A_598 = tpu.vector_load %arg16[%get3A_596, %get3A_597] {strides = array<i32>} : memref<640x64xf32, #tpu.memory_space<vmem>>, vector<16xf32>,
        %mul3A_599 = arith.mulf %get3A_165, %get3A_598 : vector<16xf32>
        %add3A_600 = arith.addf %add3A_595, %mul3A_599 : vector<16xf32>
        %reduce_sum3A_601 = arith.constant true
        %reduce_sum3A_602 = vector.broadcast %reduce_sum3A_601 : i1 to vector<16xi1>
        %reduce_sum3A_603 = tpu.scan <sum>, %add3A_600 masked %reduce_sum3A_602 : vector<16xf32>, vector<16xi1> -> vector<16xf32>
        %reduce_sum3A_604 = vector.extract %reduce_sum3A_603[15] : f32 from vector<16xf32>
        %eq3A_605 = arith.constant 13 : i32
        %eq3A_606 = vector.broadcast %eq3A_605 : i32 to vector<16xi32>
        %eq3A_607 = arith.cmpi eq, %iota3A, %eq3A_606 : vector<16xi32>
        %broadcast_in_dim3A_608 = vector.broadcast %reduce_sum3A_604 : f32 to vector<16xf32>
        %select_n3A_609 = arith.select %eq3A_607, %broadcast_in_dim3A_608, %select_n3A_577 : vector<16xi1>, vector<16xf32>
        %mul3A_610 = arith.constant 20 : i32
        %mul3A_611 = arith.muli %scan3A_154, %mul3A_610 : i32
        %add3A_612 = arith.constant 13 : i32
        %add3A_613 = arith.addi %mul3A_611, %add3A_612 : i32
        %get3A_614 = arith.index_cast %add3A_613 : i32 to index
        %get3A_615 = arith.constant 0 : index
        %get3A_616 = tpu.vector_load %arg16[%get3A_614, %get3A_615] {strides = array<i32>} : memref<640x64xf32, #tpu.memory_space<vmem>>, vector<16xf32>,
        %mul3A_617 = arith.mulf %get3A_156, %get3A_616 : vector<16xf32>
        %get3A_618 = arith.index_cast %add3A_613 : i32 to index
        %get3A_619 = arith.constant 16 : index
        %get3A_620 = tpu.vector_load %arg16[%get3A_618, %get3A_619] {strides = array<i32>} : memref<640x64xf32, #tpu.memory_space<vmem>>, vector<16xf32>,
        %mul3A_621 = arith.mulf %get3A_159, %get3A_620 : vector<16xf32>
        %add3A_622 = arith.addf %mul3A_617, %mul3A_621 : vector<16xf32>
        %get3A_623 = arith.index_cast %add3A_613 : i32 to index
        %get3A_624 = arith.constant 32 : index
        %get3A_625 = tpu.vector_load %arg16[%get3A_623, %get3A_624] {strides = array<i32>} : memref<640x64xf32, #tpu.memory_space<vmem>>, vector<16xf32>,
        %mul3A_626 = arith.mulf %get3A_162, %get3A_625 : vector<16xf32>
        %add3A_627 = arith.addf %add3A_622, %mul3A_626 : vector<16xf32>
        %get3A_628 = arith.index_cast %add3A_613 : i32 to index
        %get3A_629 = arith.constant 48 : index
        %get3A_630 = tpu.vector_load %arg16[%get3A_628, %get3A_629] {strides = array<i32>} : memref<640x64xf32, #tpu.memory_space<vmem>>, vector<16xf32>,
        %mul3A_631 = arith.mulf %get3A_165, %get3A_630 : vector<16xf32>
        %add3A_632 = arith.addf %add3A_627, %mul3A_631 : vector<16xf32>
        %reduce_sum3A_633 = arith.constant true
        %reduce_sum3A_634 = vector.broadcast %reduce_sum3A_633 : i1 to vector<16xi1>
        %reduce_sum3A_635 = tpu.scan <sum>, %add3A_632 masked %reduce_sum3A_634 : vector<16xf32>, vector<16xi1> -> vector<16xf32>
        %reduce_sum3A_636 = vector.extract %reduce_sum3A_635[15] : f32 from vector<16xf32>
        %eq3A_637 = arith.constant 14 : i32
        %eq3A_638 = vector.broadcast %eq3A_637 : i32 to vector<16xi32>
        %eq3A_639 = arith.cmpi eq, %iota3A, %eq3A_638 : vector<16xi32>
        %broadcast_in_dim3A_640 = vector.broadcast %reduce_sum3A_636 : f32 to vector<16xf32>
        %select_n3A_641 = arith.select %eq3A_639, %broadcast_in_dim3A_640, %select_n3A_609 : vector<16xi1>, vector<16xf32>
        %mul3A_642 = arith.constant 20 : i32
        %mul3A_643 = arith.muli %scan3A_154, %mul3A_642 : i32
        %add3A_644 = arith.constant 14 : i32
        %add3A_645 = arith.addi %mul3A_643, %add3A_644 : i32
        %get3A_646 = arith.index_cast %add3A_645 : i32 to index
        %get3A_647 = arith.constant 0 : index
        %get3A_648 = tpu.vector_load %arg16[%get3A_646, %get3A_647] {strides = array<i32>} : memref<640x64xf32, #tpu.memory_space<vmem>>, vector<16xf32>,
        %mul3A_649 = arith.mulf %get3A_156, %get3A_648 : vector<16xf32>
        %get3A_650 = arith.index_cast %add3A_645 : i32 to index
        %get3A_651 = arith.constant 16 : index
        %get3A_652 = tpu.vector_load %arg16[%get3A_650, %get3A_651] {strides = array<i32>} : memref<640x64xf32, #tpu.memory_space<vmem>>, vector<16xf32>,
        %mul3A_653 = arith.mulf %get3A_159, %get3A_652 : vector<16xf32>
        %add3A_654 = arith.addf %mul3A_649, %mul3A_653 : vector<16xf32>
        %get3A_655 = arith.index_cast %add3A_645 : i32 to index
        %get3A_656 = arith.constant 32 : index
        %get3A_657 = tpu.vector_load %arg16[%get3A_655, %get3A_656] {strides = array<i32>} : memref<640x64xf32, #tpu.memory_space<vmem>>, vector<16xf32>,
        %mul3A_658 = arith.mulf %get3A_162, %get3A_657 : vector<16xf32>
        %add3A_659 = arith.addf %add3A_654, %mul3A_658 : vector<16xf32>
        %get3A_660 = arith.index_cast %add3A_645 : i32 to index
        %get3A_661 = arith.constant 48 : index
        %get3A_662 = tpu.vector_load %arg16[%get3A_660, %get3A_661] {strides = array<i32>} : memref<640x64xf32, #tpu.memory_space<vmem>>, vector<16xf32>,
        %mul3A_663 = arith.mulf %get3A_165, %get3A_662 : vector<16xf32>
        %add3A_664 = arith.addf %add3A_659, %mul3A_663 : vector<16xf32>
        %reduce_sum3A_665 = arith.constant true
        %reduce_sum3A_666 = vector.broadcast %reduce_sum3A_665 : i1 to vector<16xi1>
        %reduce_sum3A_667 = tpu.scan <sum>, %add3A_664 masked %reduce_sum3A_666 : vector<16xf32>, vector<16xi1> -> vector<16xf32>
        %reduce_sum3A_668 = vector.extract %reduce_sum3A_667[15] : f32 from vector<16xf32>
        %eq3A_669 = arith.constant 15 : i32
        %eq3A_670 = vector.broadcast %eq3A_669 : i32 to vector<16xi32>
        %eq3A_671 = arith.cmpi eq, %iota3A, %eq3A_670 : vector<16xi32>
        %broadcast_in_dim3A_672 = vector.broadcast %reduce_sum3A_668 : f32 to vector<16xf32>
        %select_n3A_673 = arith.select %eq3A_671, %broadcast_in_dim3A_672, %select_n3A_641 : vector<16xi1>, vector<16xf32>
        %mul3A_674 = arith.constant 20 : i32
        %mul3A_675 = arith.muli %scan3A_154, %mul3A_674 : i32
        %add3A_676 = arith.constant 15 : i32
        %add3A_677 = arith.addi %mul3A_675, %add3A_676 : i32
        %get3A_678 = arith.index_cast %add3A_677 : i32 to index
        %get3A_679 = arith.constant 0 : index
        %get3A_680 = tpu.vector_load %arg16[%get3A_678, %get3A_679] {strides = array<i32>} : memref<640x64xf32, #tpu.memory_space<vmem>>, vector<16xf32>,
        %mul3A_681 = arith.mulf %get3A_156, %get3A_680 : vector<16xf32>
        %get3A_682 = arith.index_cast %add3A_677 : i32 to index
        %get3A_683 = arith.constant 16 : index
        %get3A_684 = tpu.vector_load %arg16[%get3A_682, %get3A_683] {strides = array<i32>} : memref<640x64xf32, #tpu.memory_space<vmem>>, vector<16xf32>,
        %mul3A_685 = arith.mulf %get3A_159, %get3A_684 : vector<16xf32>
        %add3A_686 = arith.addf %mul3A_681, %mul3A_685 : vector<16xf32>
        %get3A_687 = arith.index_cast %add3A_677 : i32 to index
        %get3A_688 = arith.constant 32 : index
        %get3A_689 = tpu.vector_load %arg16[%get3A_687, %get3A_688] {strides = array<i32>} : memref<640x64xf32, #tpu.memory_space<vmem>>, vector<16xf32>,
        %mul3A_690 = arith.mulf %get3A_162, %get3A_689 : vector<16xf32>
        %add3A_691 = arith.addf %add3A_686, %mul3A_690 : vector<16xf32>
        %get3A_692 = arith.index_cast %add3A_677 : i32 to index
        %get3A_693 = arith.constant 48 : index
        %get3A_694 = tpu.vector_load %arg16[%get3A_692, %get3A_693] {strides = array<i32>} : memref<640x64xf32, #tpu.memory_space<vmem>>, vector<16xf32>,
        %mul3A_695 = arith.mulf %get3A_165, %get3A_694 : vector<16xf32>
        %add3A_696 = arith.addf %add3A_691, %mul3A_695 : vector<16xf32>
        %reduce_sum3A_697 = arith.constant true
        %reduce_sum3A_698 = vector.broadcast %reduce_sum3A_697 : i1 to vector<16xi1>
        %reduce_sum3A_699 = tpu.scan <sum>, %add3A_696 masked %reduce_sum3A_698 : vector<16xf32>, vector<16xi1> -> vector<16xf32>
        %reduce_sum3A_700 = vector.extract %reduce_sum3A_699[15] : f32 from vector<16xf32>
        %eq3A_701 = arith.constant 0 : i32
        %eq3A_702 = vector.broadcast %eq3A_701 : i32 to vector<16xi32>
        %eq3A_703 = arith.cmpi eq, %iota3A, %eq3A_702 : vector<16xi32>
        %broadcast_in_dim3A_704 = vector.broadcast %reduce_sum3A_700 : f32 to vector<16xf32>
        %select_n3A_705 = arith.select %eq3A_703, %broadcast_in_dim3A_704, %broadcast_in_dim3A_168 : vector<16xi1>, vector<16xf32>
        %mul3A_706 = arith.constant 20 : i32
        %mul3A_707 = arith.muli %scan3A_154, %mul3A_706 : i32
        %add3A_708 = arith.constant 16 : i32
        %add3A_709 = arith.addi %mul3A_707, %add3A_708 : i32
        %get3A_710 = arith.index_cast %add3A_709 : i32 to index
        %get3A_711 = arith.constant 0 : index
        %get3A_712 = tpu.vector_load %arg16[%get3A_710, %get3A_711] {strides = array<i32>} : memref<640x64xf32, #tpu.memory_space<vmem>>, vector<16xf32>,
        %mul3A_713 = arith.mulf %get3A_156, %get3A_712 : vector<16xf32>
        %get3A_714 = arith.index_cast %add3A_709 : i32 to index
        %get3A_715 = arith.constant 16 : index
        %get3A_716 = tpu.vector_load %arg16[%get3A_714, %get3A_715] {strides = array<i32>} : memref<640x64xf32, #tpu.memory_space<vmem>>, vector<16xf32>,
        %mul3A_717 = arith.mulf %get3A_159, %get3A_716 : vector<16xf32>
        %add3A_718 = arith.addf %mul3A_713, %mul3A_717 : vector<16xf32>
        %get3A_719 = arith.index_cast %add3A_709 : i32 to index
        %get3A_720 = arith.constant 32 : index
        %get3A_721 = tpu.vector_load %arg16[%get3A_719, %get3A_720] {strides = array<i32>} : memref<640x64xf32, #tpu.memory_space<vmem>>, vector<16xf32>,
        %mul3A_722 = arith.mulf %get3A_162, %get3A_721 : vector<16xf32>
        %add3A_723 = arith.addf %add3A_718, %mul3A_722 : vector<16xf32>
        %get3A_724 = arith.index_cast %add3A_709 : i32 to index
        %get3A_725 = arith.constant 48 : index
        %get3A_726 = tpu.vector_load %arg16[%get3A_724, %get3A_725] {strides = array<i32>} : memref<640x64xf32, #tpu.memory_space<vmem>>, vector<16xf32>,
        %mul3A_727 = arith.mulf %get3A_165, %get3A_726 : vector<16xf32>
        %add3A_728 = arith.addf %add3A_723, %mul3A_727 : vector<16xf32>
        %reduce_sum3A_729 = arith.constant true
        %reduce_sum3A_730 = vector.broadcast %reduce_sum3A_729 : i1 to vector<16xi1>
        %reduce_sum3A_731 = tpu.scan <sum>, %add3A_728 masked %reduce_sum3A_730 : vector<16xf32>, vector<16xi1> -> vector<16xf32>
        %reduce_sum3A_732 = vector.extract %reduce_sum3A_731[15] : f32 from vector<16xf32>
        %eq3A_733 = arith.constant 1 : i32
        %eq3A_734 = vector.broadcast %eq3A_733 : i32 to vector<16xi32>
        %eq3A_735 = arith.cmpi eq, %iota3A, %eq3A_734 : vector<16xi32>
        %broadcast_in_dim3A_736 = vector.broadcast %reduce_sum3A_732 : f32 to vector<16xf32>
        %select_n3A_737 = arith.select %eq3A_735, %broadcast_in_dim3A_736, %select_n3A_705 : vector<16xi1>, vector<16xf32>
        %mul3A_738 = arith.constant 20 : i32
        %mul3A_739 = arith.muli %scan3A_154, %mul3A_738 : i32
        %add3A_740 = arith.constant 17 : i32
        %add3A_741 = arith.addi %mul3A_739, %add3A_740 : i32
        %get3A_742 = arith.index_cast %add3A_741 : i32 to index
        %get3A_743 = arith.constant 0 : index
        %get3A_744 = tpu.vector_load %arg16[%get3A_742, %get3A_743] {strides = array<i32>} : memref<640x64xf32, #tpu.memory_space<vmem>>, vector<16xf32>,
        %mul3A_745 = arith.mulf %get3A_156, %get3A_744 : vector<16xf32>
        %get3A_746 = arith.index_cast %add3A_741 : i32 to index
        %get3A_747 = arith.constant 16 : index
        %get3A_748 = tpu.vector_load %arg16[%get3A_746, %get3A_747] {strides = array<i32>} : memref<640x64xf32, #tpu.memory_space<vmem>>, vector<16xf32>,
        %mul3A_749 = arith.mulf %get3A_159, %get3A_748 : vector<16xf32>
        %add3A_750 = arith.addf %mul3A_745, %mul3A_749 : vector<16xf32>
        %get3A_751 = arith.index_cast %add3A_741 : i32 to index
        %get3A_752 = arith.constant 32 : index
        %get3A_753 = tpu.vector_load %arg16[%get3A_751, %get3A_752] {strides = array<i32>} : memref<640x64xf32, #tpu.memory_space<vmem>>, vector<16xf32>,
        %mul3A_754 = arith.mulf %get3A_162, %get3A_753 : vector<16xf32>
        %add3A_755 = arith.addf %add3A_750, %mul3A_754 : vector<16xf32>
        %get3A_756 = arith.index_cast %add3A_741 : i32 to index
        %get3A_757 = arith.constant 48 : index
        %get3A_758 = tpu.vector_load %arg16[%get3A_756, %get3A_757] {strides = array<i32>} : memref<640x64xf32, #tpu.memory_space<vmem>>, vector<16xf32>,
        %mul3A_759 = arith.mulf %get3A_165, %get3A_758 : vector<16xf32>
        %add3A_760 = arith.addf %add3A_755, %mul3A_759 : vector<16xf32>
        %reduce_sum3A_761 = arith.constant true
        %reduce_sum3A_762 = vector.broadcast %reduce_sum3A_761 : i1 to vector<16xi1>
        %reduce_sum3A_763 = tpu.scan <sum>, %add3A_760 masked %reduce_sum3A_762 : vector<16xf32>, vector<16xi1> -> vector<16xf32>
        %reduce_sum3A_764 = vector.extract %reduce_sum3A_763[15] : f32 from vector<16xf32>
        %eq3A_765 = arith.constant 2 : i32
        %eq3A_766 = vector.broadcast %eq3A_765 : i32 to vector<16xi32>
        %eq3A_767 = arith.cmpi eq, %iota3A, %eq3A_766 : vector<16xi32>
        %broadcast_in_dim3A_768 = vector.broadcast %reduce_sum3A_764 : f32 to vector<16xf32>
        %select_n3A_769 = arith.select %eq3A_767, %broadcast_in_dim3A_768, %select_n3A_737 : vector<16xi1>, vector<16xf32>
        %mul3A_770 = arith.constant 20 : i32
        %mul3A_771 = arith.muli %scan3A_154, %mul3A_770 : i32
        %add3A_772 = arith.constant 18 : i32
        %add3A_773 = arith.addi %mul3A_771, %add3A_772 : i32
        %get3A_774 = arith.index_cast %add3A_773 : i32 to index
        %get3A_775 = arith.constant 0 : index
        %get3A_776 = tpu.vector_load %arg16[%get3A_774, %get3A_775] {strides = array<i32>} : memref<640x64xf32, #tpu.memory_space<vmem>>, vector<16xf32>,
        %mul3A_777 = arith.mulf %get3A_156, %get3A_776 : vector<16xf32>
        %get3A_778 = arith.index_cast %add3A_773 : i32 to index
        %get3A_779 = arith.constant 16 : index
        %get3A_780 = tpu.vector_load %arg16[%get3A_778, %get3A_779] {strides = array<i32>} : memref<640x64xf32, #tpu.memory_space<vmem>>, vector<16xf32>,
        %mul3A_781 = arith.mulf %get3A_159, %get3A_780 : vector<16xf32>
        %add3A_782 = arith.addf %mul3A_777, %mul3A_781 : vector<16xf32>
        %get3A_783 = arith.index_cast %add3A_773 : i32 to index
        %get3A_784 = arith.constant 32 : index
        %get3A_785 = tpu.vector_load %arg16[%get3A_783, %get3A_784] {strides = array<i32>} : memref<640x64xf32, #tpu.memory_space<vmem>>, vector<16xf32>,
        %mul3A_786 = arith.mulf %get3A_162, %get3A_785 : vector<16xf32>
        %add3A_787 = arith.addf %add3A_782, %mul3A_786 : vector<16xf32>
        %get3A_788 = arith.index_cast %add3A_773 : i32 to index
        %get3A_789 = arith.constant 48 : index
        %get3A_790 = tpu.vector_load %arg16[%get3A_788, %get3A_789] {strides = array<i32>} : memref<640x64xf32, #tpu.memory_space<vmem>>, vector<16xf32>,
        %mul3A_791 = arith.mulf %get3A_165, %get3A_790 : vector<16xf32>
        %add3A_792 = arith.addf %add3A_787, %mul3A_791 : vector<16xf32>
        %reduce_sum3A_793 = arith.constant true
        %reduce_sum3A_794 = vector.broadcast %reduce_sum3A_793 : i1 to vector<16xi1>
        %reduce_sum3A_795 = tpu.scan <sum>, %add3A_792 masked %reduce_sum3A_794 : vector<16xf32>, vector<16xi1> -> vector<16xf32>
        %reduce_sum3A_796 = vector.extract %reduce_sum3A_795[15] : f32 from vector<16xf32>
        %eq3A_797 = arith.constant 3 : i32
        %eq3A_798 = vector.broadcast %eq3A_797 : i32 to vector<16xi32>
        %eq3A_799 = arith.cmpi eq, %iota3A, %eq3A_798 : vector<16xi32>
        %broadcast_in_dim3A_800 = vector.broadcast %reduce_sum3A_796 : f32 to vector<16xf32>
        %select_n3A_801 = arith.select %eq3A_799, %broadcast_in_dim3A_800, %select_n3A_769 : vector<16xi1>, vector<16xf32>
        %mul3A_802 = arith.constant 20 : i32
        %mul3A_803 = arith.muli %scan3A_154, %mul3A_802 : i32
        %add3A_804 = arith.constant 19 : i32
        %add3A_805 = arith.addi %mul3A_803, %add3A_804 : i32
        %get3A_806 = arith.index_cast %add3A_805 : i32 to index
        %get3A_807 = arith.constant 0 : index
        %get3A_808 = tpu.vector_load %arg16[%get3A_806, %get3A_807] {strides = array<i32>} : memref<640x64xf32, #tpu.memory_space<vmem>>, vector<16xf32>,
        %mul3A_809 = arith.mulf %get3A_156, %get3A_808 : vector<16xf32>
        %get3A_810 = arith.index_cast %add3A_805 : i32 to index
        %get3A_811 = arith.constant 16 : index
        %get3A_812 = tpu.vector_load %arg16[%get3A_810, %get3A_811] {strides = array<i32>} : memref<640x64xf32, #tpu.memory_space<vmem>>, vector<16xf32>,
        %mul3A_813 = arith.mulf %get3A_159, %get3A_812 : vector<16xf32>
        %add3A_814 = arith.addf %mul3A_809, %mul3A_813 : vector<16xf32>
        %get3A_815 = arith.index_cast %add3A_805 : i32 to index
        %get3A_816 = arith.constant 32 : index
        %get3A_817 = tpu.vector_load %arg16[%get3A_815, %get3A_816] {strides = array<i32>} : memref<640x64xf32, #tpu.memory_space<vmem>>, vector<16xf32>,
        %mul3A_818 = arith.mulf %get3A_162, %get3A_817 : vector<16xf32>
        %add3A_819 = arith.addf %add3A_814, %mul3A_818 : vector<16xf32>
        %get3A_820 = arith.index_cast %add3A_805 : i32 to index
        %get3A_821 = arith.constant 48 : index
        %get3A_822 = tpu.vector_load %arg16[%get3A_820, %get3A_821] {strides = array<i32>} : memref<640x64xf32, #tpu.memory_space<vmem>>, vector<16xf32>,
        %mul3A_823 = arith.mulf %get3A_165, %get3A_822 : vector<16xf32>
        %add3A_824 = arith.addf %add3A_819, %mul3A_823 : vector<16xf32>
        %reduce_sum3A_825 = arith.constant true
        %reduce_sum3A_826 = vector.broadcast %reduce_sum3A_825 : i1 to vector<16xi1>
        %reduce_sum3A_827 = tpu.scan <sum>, %add3A_824 masked %reduce_sum3A_826 : vector<16xf32>, vector<16xi1> -> vector<16xf32>
        %reduce_sum3A_828 = vector.extract %reduce_sum3A_827[15] : f32 from vector<16xf32>
        %eq3A_829 = arith.constant 4 : i32
        %eq3A_830 = vector.broadcast %eq3A_829 : i32 to vector<16xi32>
        %eq3A_831 = arith.cmpi eq, %iota3A, %eq3A_830 : vector<16xi32>
        %broadcast_in_dim3A_832 = vector.broadcast %reduce_sum3A_828 : f32 to vector<16xf32>
        %select_n3A_833 = arith.select %eq3A_831, %broadcast_in_dim3A_832, %select_n3A_801 : vector<16xi1>, vector<16xf32>
        %mul3A_834 = arith.constant 32 : i32
        %mul3A_835 = arith.muli %scan3A_154, %mul3A_834 : i32
        %swap3A = arith.index_cast %mul3A_835 : i32 to index
        %swap3A_836 = tpu.vector_load %arg17[%swap3A] {strides = array<i32>} : memref<1024xf32, #tpu.memory_space<vmem>>, vector<16xf32>,
        tpu.vector_store %arg17[%swap3A], %select_n3A_673 {strides = array<i32>} : memref<1024xf32, #tpu.memory_space<vmem>>, vector<16xf32>,
        %mul3A_837 = arith.constant 32 : i32
        %mul3A_838 = arith.muli %scan3A_154, %mul3A_837 : i32
        %add3A_839 = arith.constant 16 : i32
        %add3A_840 = arith.addi %mul3A_838, %add3A_839 : i32
        %swap3A_841 = arith.index_cast %add3A_840 : i32 to index
        %swap3A_842 = tpu.vector_load %arg17[%swap3A_841] {strides = array<i32>} : memref<1024xf32, #tpu.memory_space<vmem>>, vector<16xf32>,
        tpu.vector_store %arg17[%swap3A_841], %select_n3A_833 {strides = array<i32>} : memref<1024xf32, #tpu.memory_space<vmem>>, vector<16xf32>,
      }
      %scan3A_151 = arith.constant 32 : i32
      %mul3A_152 = arith.constant 32 : i32
      %mul3A_153 = arith.muli %add3A_145, %mul3A_152 : i32
      "tpu.region"() ({
        %run_scoped3A = tpu.sem_alloc : memref<!tpu.dma_semaphore, #tpu.memory_space<semaphore_mem>>
        %dma_start3A_154 = tpu.memref_slice %arg7[%mul3A_153] : memref<524288xf32, #tpu.memory_space<hbm>> -> memref<1024xf32, #tpu.memory_space<hbm>>
        %dma_start3A_155 = tpu.memref_slice %arg7[%mul3A_153] : memref<524288xf32, #tpu.memory_space<hbm>> -> memref<1024xf32, #tpu.memory_space<hbm>>
        tpu.enqueue_dma source(%arg17 : memref<1024xf32, #tpu.memory_space<vmem>>) target(%dma_start3A_155 : memref<1024xf32, #tpu.memory_space<hbm>>) target_semaphore(%run_scoped3A : memref<!tpu.dma_semaphore, #tpu.memory_space<semaphore_mem>>)
        %dma_wait3A_156 = tpu.memref_slice %arg7[%mul3A_153] : memref<524288xf32, #tpu.memory_space<hbm>> -> memref<1024xf32, #tpu.memory_space<hbm>>
        %dma_wait3A_157 = tpu.memref_slice %arg7[%mul3A_153] : memref<524288xf32, #tpu.memory_space<hbm>> -> memref<1024xf32, #tpu.memory_space<hbm>>
        tpu.wait_dma2 semaphore(%run_scoped3A : memref<!tpu.dma_semaphore, #tpu.memory_space<semaphore_mem>>) src(%arg17 : memref<1024xf32, #tpu.memory_space<vmem>>) dst(%dma_wait3A_157 : memref<1024xf32, #tpu.memory_space<hbm>>)
        tpu.yield
      }) : () -> ()
    }
    %scan3A_34 = arith.constant 8 : i32
    %dma_wait3A_35 = arith.constant 480 : i32
    %dma_wait3A_36 = tpu.memref_slice %arg8[%dma_wait3A_35] : memref<512xi32, #tpu.memory_space<vmem>> -> memref<32xi32, #tpu.memory_space<vmem>>
    %dma_wait3A_37 = arith.constant 0 : i32
    %dma_wait3A_38 = arith.constant 0 : i32
    %dma_wait3A_39 = tpu.memref_slice %arg2[%dma_wait3A_37, %dma_wait3A_38] : memref<1000000x64xf32, #tpu.memory_space<hbm>> -> memref<1000000x64xf32, #tpu.memory_space<hbm>>
    tpu.wait_indirect_dma semaphore(%arg18 : memref<!tpu.dma_semaphore, #tpu.memory_space<semaphore_mem>>) src(%dma_wait3A_39 : memref<1000000x64xf32, #tpu.memory_space<hbm>>) dst(%arg11 : memref<32x64xf32, #tpu.memory_space<vmem>>)
    %dma_wait3A_40 = arith.constant 480 : i32
    %dma_wait3A_41 = tpu.memref_slice %arg9[%dma_wait3A_40] : memref<512xi32, #tpu.memory_space<vmem>> -> memref<32xi32, #tpu.memory_space<vmem>>
    %dma_wait3A_42 = arith.constant 0 : i32
    %dma_wait3A_43 = arith.constant 0 : i32
    %dma_wait3A_44 = tpu.memref_slice %arg3[%dma_wait3A_42, %dma_wait3A_43] : memref<1000000x64xf32, #tpu.memory_space<hbm>> -> memref<1000000x64xf32, #tpu.memory_space<hbm>>
    tpu.wait_indirect_dma semaphore(%arg20 : memref<!tpu.dma_semaphore, #tpu.memory_space<semaphore_mem>>) src(%dma_wait3A_44 : memref<1000000x64xf32, #tpu.memory_space<hbm>>) dst(%arg13 : memref<32x64xf32, #tpu.memory_space<vmem>>)
    %dma_wait3A_45 = arith.constant 9600 : i32
    %dma_wait3A_46 = tpu.memref_slice %arg10[%dma_wait3A_45] : memref<10240xi32, #tpu.memory_space<vmem>> -> memref<640xi32, #tpu.memory_space<vmem>>
    %dma_wait3A_47 = arith.constant 0 : i32
    %dma_wait3A_48 = arith.constant 0 : i32
    %dma_wait3A_49 = tpu.memref_slice %arg3[%dma_wait3A_47, %dma_wait3A_48] : memref<1000000x64xf32, #tpu.memory_space<hbm>> -> memref<1000000x64xf32, #tpu.memory_space<hbm>>
    tpu.wait_indirect_dma semaphore(%arg22 : memref<!tpu.dma_semaphore, #tpu.memory_space<semaphore_mem>>) src(%dma_wait3A_49 : memref<1000000x64xf32, #tpu.memory_space<hbm>>) dst(%arg15 : memref<640x64xf32, #tpu.memory_space<vmem>>)
    return
  }
}

module attributes {stable_mosaic.version = 14 : i64} {
  func.func @body(%arg0: memref<16384x32xf32, #tpu.memory_space<vmem>>, %arg1: memref<1x1xf32, #tpu.memory_space<vmem>>) attributes {dimension_semantics = [], scalar_prefetch = 0 : i64, scratch_operands = 0 : i64, tpu.core_type = #tpu.core_type<tc>} {
    %get3A = arith.constant 0 : index
    %get3A_0 = arith.constant 0 : index
    %get3A_1 = vector.load %arg0[%get3A, %get3A_0] : memref<16384x32xf32, #tpu.memory_space<vmem>>, vector<16384x32xf32>
    %iota3A = tpu.iota {dimensions = array<i32: 1>} : vector<16384x32xi32>
    %eq3A = arith.constant 0 : i32
    %eq3A_2 = vector.broadcast %eq3A : i32 to vector<16384x32xi32>
    %eq3A_3 = arith.cmpi eq, %iota3A, %eq3A_2 : vector<16384x32xi32>
    %jit3A = arith.constant 1.000000e+00 : f32
    %jit3A_4 = arith.constant -1.000000e+00 : f32
    %broadcast_in_dim3A = vector.broadcast %jit3A : f32 to vector<16384x32xf32>
    %broadcast_in_dim3A_5 = vector.broadcast %jit3A_4 : f32 to vector<16384x32xf32>
    %select_n3A = arith.select %eq3A_3, %broadcast_in_dim3A, %broadcast_in_dim3A_5 : vector<16384x32xi1>, vector<16384x32xf32>
    %le3A = arith.constant 20 : i32
    %le3A_6 = vector.broadcast %le3A : i32 to vector<16384x32xi32>
    %le3A_7 = arith.cmpi sle, %iota3A, %le3A_6 : vector<16384x32xi32>
    %convert_element_type3A = arith.extui %le3A_7 : vector<16384x32xi1> to vector<16384x32xi32>
    %convert_element_type3A_8 = arith.sitofp %convert_element_type3A : vector<16384x32xi32> to vector<16384x32xf32>
    %mul3A = arith.mulf %select_n3A, %get3A_1 : vector<16384x32xf32>
    %neg3A = arith.constant 0.000000e+00 : f32
    %neg3A_9 = vector.broadcast %neg3A : f32 to vector<16384x32xf32>
    %neg3A_10 = arith.subf %neg3A_9, %mul3A : vector<16384x32xf32>
    %custom_jvp_call3A = arith.constant 0.000000e+00 : f32
    %max3A = vector.broadcast %custom_jvp_call3A : f32 to vector<16384x32xf32>
    %max3A_11 = arith.maximumf %neg3A_10, %max3A : vector<16384x32xf32>
    %sub3A = vector.broadcast %custom_jvp_call3A : f32 to vector<16384x32xf32>
    %sub3A_12 = arith.subf %neg3A_10, %sub3A : vector<16384x32xf32>
    %ne3A = arith.cmpf one, %sub3A_12, %sub3A_12 : vector<16384x32xf32>
    %add3A = vector.broadcast %custom_jvp_call3A : f32 to vector<16384x32xf32>
    %add3A_13 = arith.addf %neg3A_10, %add3A : vector<16384x32xf32>
    %abs3A = math.absf %sub3A_12 : vector<16384x32xf32>
    %neg3A_14 = arith.constant 0.000000e+00 : f32
    %neg3A_15 = vector.broadcast %neg3A_14 : f32 to vector<16384x32xf32>
    %neg3A_16 = arith.subf %neg3A_15, %abs3A : vector<16384x32xf32>
    %exp3A = math.exp %neg3A_16 : vector<16384x32xf32>
    %log1p3A = math.log1p %exp3A : vector<16384x32xf32>
    %add3A_17 = arith.addf %max3A_11, %log1p3A : vector<16384x32xf32>
    %select_n3A_18 = arith.select %ne3A, %add3A_13, %add3A_17 : vector<16384x32xi1>, vector<16384x32xf32>
    %neg3A_19 = arith.constant 0.000000e+00 : f32
    %neg3A_20 = vector.broadcast %neg3A_19 : f32 to vector<16384x32xf32>
    %neg3A_21 = arith.subf %neg3A_20, %select_n3A_18 : vector<16384x32xf32>
    %mul3A_22 = arith.mulf %convert_element_type3A_8, %neg3A_21 : vector<16384x32xf32>
    %reduce_sum3A = vector.shape_cast %mul3A_22 : vector<16384x32xf32> to vector<1x16384x32xf32>
    %reduce_sum3A_23 = arith.constant dense<0.000000e+00> : vector<1xf32>
    %reduce_sum3A_24 = vector.multi_reduction <add>, %reduce_sum3A, %reduce_sum3A_23 [1, 2] : vector<1x16384x32xf32> to vector<1xf32>
    %reduce_sum3A_25 = vector.shape_cast %reduce_sum3A_24 : vector<1xf32> to vector<1x1x1xf32>
    %reduce_sum3A_26 = vector.extract %reduce_sum3A_25[0, 0, 0] : f32 from vector<1x1x1xf32>
    %neg3A_27 = arith.constant 0.000000e+00 : f32
    %neg3A_28 = arith.subf %neg3A_27, %reduce_sum3A_26 : f32
    %div3A = arith.constant 1.638400e+04 : f32
    %div3A_29 = arith.divf %neg3A_28, %div3A : f32
    %reshape3A = vector.broadcast %div3A_29 : f32 to vector<1x1xf32>
    %swap3A = arith.constant 0 : index
    %swap3A_30 = arith.constant 0 : index
    %swap3A_31 = vector.load %arg1[%swap3A, %swap3A_30] : memref<1x1xf32, #tpu.memory_space<vmem>>, vector<1x1xf32>
    tpu.vector_store %arg1[%swap3A, %swap3A_30], %reshape3A {strides = array<i32>} : memref<1x1xf32, #tpu.memory_space<vmem>>, vector<1x1xf32>,
    return
  }
}

</mosaic_0001>

<sc_bundles>
// kernel: kernel.4.cloned.1.call-start
scs
__scs_entry_jumppad:
0x0: {  	(pc) =	sbr.rel $0x88, $3  }
0x1: {  	(tag) =	ssettag $0x0;
	lr =	simm.s32 $0x1  }
0x2: {  	[smem:$0x3F9C] =	sst lr;
	_ =	strace $0xD0000000  }
0x3: {  	_ = 	snop  }
0x4: {  	_ = 	snop  }
0x5: {  	_ = 	snop  }
0x6: {  	_ = 	snop  }
0x7: {  	_ = 	snop  }
__scs_overlays_trampoline_lowered:
0x8: {  	[smem:$0x3FAB] =	sst s0  }
0x9: {  	[smem:$0x3FAC] =	sst s1  }
0xa: {  	[smem:$0x3FAD] =	sst s2  }
0xb: {  	[smem:$0x3FAE] =	sst s3  }
0xc: {  	[smem:$0x3FAF] =	sst s4  }
0xd: {  	[smem:$0x3FB0] =	sst s5  }
0xe: {  	[smem:$0x3FB1] =	sst s6  }
0xf: {  	[smem:$0x3FB2] =	sst s7  }
0x10: {  	[smem:$0x3FB3] =	sst s8  }
0x11: {  	[smem:$0x3FB4] =	sst s9;
	s0 =	simm.s32 @!p0 $0x0  }
0x12: {  	s1 =	sld [smem:$0x3F9A];
	s0 =	simm.s32 @p0 $0x1  }
0x13: {  	[smem:$0x3FB5] =	sst s0;
	s0 =	simm.s32 @!p1 $0x0  }
0x14: {  	s2 =	sld [smem:$0x3F99];
	s0 =	simm.s32 @p1 $0x1  }
0x15: {  	[smem:$0x3FB6] =	sst s0;
	s0 =	simm.s32 @!p2 $0x0  }
0x16: {  	s3 =	sld [smem:$0x3FDB];
	s0 =	simm.s32 @p2 $0x1  }
0x17: {  	s4 =	simm.s32 $0x1BF5;
	[smem:$0x3FB8] =	sst s0  }
0x18: {  	s0 =	sld [smem:$0x3F9B];
	_ =	swait.ge [sflag:s4], $0x0  }
0x19: {  	s7 =	sld [smem:$0x3F9C]  }
0x1a: {  	s8 =	sadd.s32 $0xFFFFE003, lr  }
0x1b: {  	s9 =	sadd.s32 $0xFFFFFEF7, lr;
	s5 =	simm.s32 $0xFFFFFFFF;
	p2 =	slt.u32 s8, $0xFFFFF086  }
0x1c: {  	p1 =	slt.u32 s9, $0xF7A;
	s5 =	simm.s32 @!p2 $0x0  }
0x1d: {  	s5 =	simm.s32 @p1 $0x1;
	p0 =	seq.s32 s7, s2  }
0x1e: {  	s7 =	smul.u32 @!p0 $0xF7A, s2;
	p2 =	seq.s32 @!p0 s5, $0x0  }
0x1f: {  	s9 =	smul.u32 $0xF7A, s1;
	s8 =	simm.s32 @!p0 $0x1BF5;
	p2 =	por !p2, p0  }
0x20: {  	[sflag:s8] =	ssyncset.s32 @!p0 $0xFFFFF086;
	s6 =	sadd.s32 @!p0 s3, s7;
	s7 =	simm.s32 @!p0 $0x108  }
0x21: {  	s3 =	sadd.s32 s3, s9;
	s6 =	sadd.s32 @!p0 $0x88, s6;
	s7 =	simm.s32 @p2 $0x1082  }
0x22: {  	[simem:s7], [sflag:s8] =	dma.local @!p0 [hbm:s6], $0xF7A  }
0x23: {  	s9 =	sor.u32 $0xD0000000, s2;
	s6 =	simm.s32 $0x108;
	_ =	swait.ge @!p0 [sflag:s8], $0x0  }
0x24: {  	s3 =	sadd.s32 $0x88, s3;
	s6 =	simm.s32 @!p1 $0x1082;
	[sflag:s4] =	ssyncset.s32 $0xFFFFF086  }
0x25: {  	[simem:s6], [sflag:s4] =	dma.local [hbm:s3], $0xF7A  }
0x26: {  	[smem:$0x3F9C] =	sst s1;
	(tag) =	ssettag s2;
	_ =	strace s9  }
0x27: {  	s1 =	sld [smem:$0x3FAC]  }
0x28: {  	s2 =	sld [smem:$0x3FAD]  }
0x29: {  	s4 =	sld [smem:$0x3FAF]  }
0x2a: {  	p0 =	seq.s32 s5, $0x0;
	s5 =	sld [smem:$0x3FB0]  }
0x2b: {  	s6 =	sld [smem:$0x3FB1]  }
0x2c: {  	s7 =	sld [smem:$0x3FB2]  }
0x2d: {  	s3 =	simm.s32 $0x108;
	s8 =	sld [smem:$0x3FB3]  }
0x2e: {  	s3 =	simm.s32 @!p0 $0x1082;
	s9 =	sld [smem:$0x3FB4]  }
0x2f: {  	lr =	sadd.s32 s0, s3;
	s0 =	sld [smem:$0x3FAB]  }
0x30: {  	s3 =	sld [smem:$0x3FAE]  }
0x31: {  	[smem:$0x3FB7] =	sst s10  }
0x32: {  	s10 =	sld [smem:$0x3FB5];
	_ =	sdelay $0x3  }
0x33: {  	p0 =	seq.s32 s10, $0x1;
	s10 =	sld [smem:$0x3FB7];
	_ =	sdelay $0x3  }
0x34: {  	[smem:$0x3FB7] =	sst s10  }
0x35: {  	s10 =	sld [smem:$0x3FB6];
	_ =	sdelay $0x3  }
0x36: {  	p1 =	seq.s32 s10, $0x1;
	s10 =	sld [smem:$0x3FB7];
	_ =	sdelay $0x3  }
0x37: {  	[smem:$0x3FB7] =	sst s10  }
0x38: {  	s10 =	sld [smem:$0x3FB8]  }
0x39: {  	_ = 	snop;
	(pc) =	sbr.ind lr, $3  }
0x3a: {  	_ = 	snop  }
0x3b: {  	_ = 	snop  }
0x3c: {  	p2 =	seq.s32 s10, $0x1;
	s10 =	sld [smem:$0x3FB7]  }
0x3d: {  	_ =	shalt  }
0x3e: {  	_ =	shalt  }
0x3f: {  	_ =	shalt  }
0x40: {  	_ =	shalt  }
0x41: {  	_ =	shalt  }
0x42: {  	_ =	shalt  }
0x43: {  	_ =	shalt  }
0x44: {  	_ =	shalt  }
0x45: {  	_ =	shalt  }
0x46: {  	_ =	shalt  }
0x47: {  	_ =	shalt  }
0x48: {  	_ =	shalt  }
0x49: {  	_ =	shalt  }
0x4a: {  	_ =	shalt  }
0x4b: {  	_ =	shalt  }
0x4c: {  	_ =	shalt  }
0x4d: {  	_ =	shalt  }
0x4e: {  	_ =	shalt  }
0x4f: {  	_ =	shalt  }
0x50: {  	_ =	shalt  }
0x51: {  	_ =	shalt  }
0x52: {  	_ =	shalt  }
0x53: {  	_ =	shalt  }
0x54: {  	_ =	shalt  }
0x55: {  	_ =	shalt  }
0x56: {  	_ =	shalt  }
0x57: {  	_ =	shalt  }
0x58: {  	_ =	shalt  }
0x59: {  	_ =	shalt  }
0x5a: {  	_ =	shalt  }
0x5b: {  	_ =	shalt  }
0x5c: {  	_ =	shalt  }
0x5d: {  	_ =	shalt  }
0x5e: {  	_ =	shalt  }
0x5f: {  	_ =	shalt  }
0x60: {  	_ =	shalt  }
0x61: {  	_ =	shalt  }
0x62: {  	_ =	shalt  }
0x63: {  	_ =	shalt  }
0x64: {  	_ =	shalt  }
0x65: {  	_ =	shalt  }
0x66: {  	_ =	shalt  }
0x67: {  	_ =	shalt  }
0x68: {  	_ =	shalt  }
0x69: {  	_ =	shalt  }
0x6a: {  	_ =	shalt  }
0x6b: {  	_ =	shalt  }
0x6c: {  	_ =	shalt  }
0x6d: {  	_ =	shalt  }
0x6e: {  	_ =	shalt  }
0x6f: {  	_ =	shalt  }
0x70: {  	_ =	shalt  }
0x71: {  	_ =	shalt  }
0x72: {  	_ =	shalt  }
0x73: {  	_ =	shalt  }
0x74: {  	_ =	shalt  }
0x75: {  	_ =	shalt  }
0x76: {  	_ =	shalt  }
0x77: {  	_ =	shalt  }
0x78: {  	_ =	shalt  }
0x79: {  	_ =	shalt  }
0x7a: {  	_ =	shalt  }
0x7b: {  	_ =	shalt  }
0x7c: {  	_ =	shalt  }
0x7d: {  	_ =	shalt  }
0x7e: {  	_ =	shalt  }
0x7f: {  	_ =	shalt  }
0x80: {  	_ =	shalt  }
0x81: {  	_ =	shalt  }
0x82: {  	_ =	shalt  }
0x83: {  	_ =	shalt  }
0x84: {  	_ =	shalt  }
0x85: {  	_ =	shalt  }
0x86: {  	_ =	shalt  }
0x87: {  	_ =	shalt  }
.Lfunc_end0:
.L_simem_size_0:
called_computation_lowered:
.L_overlay_start_0:
0x88: {  	s2 =	sld [smem:$0x3FD9]  }
0x89: {  	s3 =	sld [smem:$0x3FFE];
	_ =	sdelay $0x1  }
0x8a: {  	s1 =	srdreg.scid  }
0x8b: {  	s0 =	sand.u32 $0x1, s1  }
0x8c: {  	s17 =	sshll.u32 s0, $0xA;
	s2 =	sadd.s32 s3, s2  }
0x8d: {  	s2 =	sadd.s32 s2, s17  }
0x8e: {  	[smem:$0x3FC3] =	sst s2  }
0x8f: {  	_ = 	snop  }
0x90: {  	s2 =	sld [smem:$0x3FC7]  }
0x91: {  	s18 =	sld [smem:$0x3FC6];
	(tm) =	ssettm $0x1  }
0x92: {  	s4 =	sld [smem:$0x3FFB];
	_ =	sdelay $0x3  }
0x93: {  	_ =	strace s4  }
0x94: {  	s4 =	sld [smem:$0x3FFC];
	_ =	sdelay $0x3  }
0x95: {  	_ =	strace s4  }
0x96: {  	s4 =	sld [smem:$0x3FFD];
	_ =	sdelay $0x3  }
0x97: {  	_ =	strace s4  }
0x98: {  	_ =	strace $0x8FFFFFFF  }
0x99: {  	s19 =	sld [smem:$0x3FDB];
	_ =	sdelay $0x1  }
0x9a: {  	s5 =	simm.s32 $_scs_section_size  }
0x9b: {  	s6 =	simm.s32 $_size__tile_overlayer_lowered;
	s7 =	simm.s32 $_tile_overlayer_lowered  }
0x9c: {  	s22 =	simm.s32 $0x1BFF;
	s21 =	sshll.u32 s7, $0x1;
	s4 =	sadd.s32 s5, s19  }
0x9d: {  	s8 =	simm.s32 $0x0;
	s20 =	sshll.u32 s6, $0x1;
	s6 =	sadd.s32 s21, s4  }
0x9e: {  	[timem:s8], [sflag:s22] =	dma.local [hbm:s6], s20  }
0x9f: {  	_ =	swait.ge [sflag:s22], s20  }
0xa0: {  	s5 =	ssub.s32 $0x0, s20;
	[sflag:s22] =	ssyncset.done $0x0  }
0xa1: {  	[sflag:s22] =	ssyncadd.s32 s5;
	_ =	sdelay $0x1  }
0xa2: {  	s23 =	simm.s32 $0x1B8B  }
0xa3: {  	_ =	swait.ge [sflag:s23], $0x1  }
0xa4: {  	[sflag:s23] =	ssyncset.done $0x0  }
0xa5: {  	s25 =	simm.s32 $0x1B8E;
	s24 =	sld [smem:$0x3FFE];
	[sflag:s23] =	ssyncadd.s32 $0xFFFFFFFF  }
0xa6: {  	s26 =	simm.s32 $execute0_lowered;
	[smem:$0x3FD2] =	sst s25  }
0xa7: {  	s6 =	sshll.u32 s26, $0x1;
	_ =	strace $0x80000046;
	[dreg:$0x1] =	wrdreg $0xFFFFFFFF  }
0xa8: {  	s28 =	simm.s32 $_size_execute0_lowered;
	s4 =	sadd.s32 s4, s6;
	[dreg:$0x0] =	wrdreg $0x0  }
0xa9: {  	s6 =	sshll.u32 s28, $0x1;
	[dreg:$0x2] =	wrdreg s4  }
0xaa: {  	[dreg:$0x3] =	wrdreg s6  }
0xab: {  	[dreg:$0x4] =	wrdreg $0xC0  }
0xac: {  	_ =	task [dreg:s8], $0x5FFFF  }
0xad: {  	[dreg:$0x1] =	wrdreg $0xFFFFFFFF  }
0xae: {  	[dreg:$0x0] =	wrdreg $0x60  }
0xaf: {  	[dreg:$0x2] =	wrdreg s24  }
0xb0: {  	[dreg:$0x3] =	wrdreg s2  }
0xb1: {  	[dreg:$0x4] =	wrdreg s18  }
0xb2: {  	[dreg:$0x5] =	wrdreg $0x9  }
0xb3: {  	_ =	task.clear_ibuf [dreg:s8], $0x6FFFF;
	_ =	strace $0x90000046  }
0xb4: {  	s29 =	simm.s32 $0x9;
	_ =	strace $0x80000048  }
0xb5: {  	_ =	swait.ge [sflag:s29], $0x1  }
0xb6: {  	[sflag:s29] =	ssyncadd.s32 $0xFFFFFFFF  }
0xb7: {  	_ =	strace $0x90000048  }
0xb8: {  	_ =	sfence  }
0xb9: {  	s30 =	sld [smem:$0x0];
	_ =	sdelay $0x2  }
0xba: {  	s31 =	sshll.u32 s1, $0xD;
	s1 =	sshrl.u32 s1, $0x2  }
0xbb: {  	s3 =	sand.u32 $0x4000, s31;
	s1 =	sadd.s32 s1, s30  }
0xbc: {  	s0 =	sor.u32 s3, s0;
	s1 =	sshll.u32 s1, $0x11  }
0xbd: {  	s0 =	sor.u32 s1, s0  }
0xbe: {  	s0 =	sadd.s32 $0x8F2B, s0  }
0xbf: {  	[sflag:s0] =	ssyncadd.remote.s32 $0x1  }
0xc0: {  	_ =	sfence.sel $0xFFFF  }
0xc1: {  	[dreg:$0x0] =	wrdreg $0xFFFFFFFF;
	(pc) =	sbr.abs _section_cstart, $3  }
0xc2: {  	[dreg:$0x1] =	wrdreg $0xFFFFFFFF  }
0xc3: {  	_ =	task.clear_ibuf [dreg:s8], $0x2FFFF;
	_ =	strace $0x9FFFFFFF  }
0xc4: {  	(tm) =	ssettm $0x7FFFFFFF  }
0xc5: {  	_ =	shalt  }
tec
execute0_lowered:
.L_overlay_start_1:
0x0: {  	(tag) =	ssettag $0x1  }
0x1: {  	s0 =	rddreg [dreg:$0x0]  }
0x2: {  	s1 =	rddreg [dreg:$0x1];
	s2 =	simm.s32 $0x0;
	vm1 =	vmmov $0x3;
	v0 =	vimm.s32 $0x0  }
0x3: {  	v51 =	vimm.s32 $0x0;
	[smem:$0x7FF] =	sst s2;
	v0 =	vsel vm1, $0xFFFFFFFF, v0;
	vm1 =	vmmov $0x7  }
0x4: {  	s6 =	rddreg [dreg:$0x2];
	v52 =	vimm.s32 $0x0;
	_ =	strace $0x80000047;
	[tilespmem:$0x1FF20] =	vst v0;
	v0 =	vsel vm1, $0xFFFFFFFF, v51;
	vm1 =	vmmov $0xf  }
0x5: {  	s3 =	srdreg.scid;
	s4 =	stileid.u32;
	v53 =	vimm.s32 $0x0;
	[tilespmem:$0x1FF30] =	vst v0;
	v0 =	vsel vm1, $0xFFFFFFFF, v52;
	vm1 =	vmmov $0x1f  }
0x6: {  	s12 =	simm.s32 $0x1;
	s13 =	simm.s32 $0x3;
	s14 =	simm.s32 $0x5;
	v54 =	vimm.s32 $0x0;
	[tilespmem:$0x1FF40] =	vst v0;
	v0 =	vsel vm1, $0xFFFFFFFF, v53;
	vm1 =	vmmov $0x3f  }
0x7: {  	s15 =	simm.s32 $0x20;
	s16 =	simm.s32 $0x2C00;
	v55 =	vimm.s32 $0x0;
	s17 =	simm.s32 $0x3C00;
	[tilespmem:$0x1FF50] =	vst v0;
	v0 =	vsel vm1, $0xFFFFFFFF, v54;
	vm1 =	vmmov $0x7f  }
0x8: {  	s18 =	simm.s32 $0x280;
	s19 =	simm.s32 $0x4C00;
	v56 =	vimm.s32 $0x0;
	s20 =	simm.s32 $0x3400;
	[tilespmem:$0x1FF60] =	vst v0;
	v0 =	vsel vm1, $0xFFFFFFFF, v55;
	vm1 =	vmmov $0xff  }
0x9: {  	v57 =	vimm.s32 $0x0;
	s21 =	simm.s32 $0x4400;
	s22 =	simm.s32 $0xEC00;
	s23 =	simm.s32 $0x18C00;
	[tilespmem:$0x1FF70] =	vst v0;
	v0 =	vsel vm1, $0xFFFFFFFF, v56;
	vm1 =	vmmov $0x1ff  }
0xa: {  	v58 =	vimm.s32 $0x0;
	s24 =	simm.s32 $0x7;
	s25 =	simm.s32 $0x2;
	s26 =	simm.s32 $0x4;
	[tilespmem:$0x1FF80] =	vst v0;
	v0 =	vsel vm1, $0xFFFFFFFF, v57;
	vm1 =	vmmov $0x3ff  }
0xb: {  	v59 =	vimm.s32 $0x0;
	s28 =	simm.s32 $0x6;
	s5 =	sand.u32 $0x1, s3;
	s30 =	sshll.u32 s4, $0x1;
	[tilespmem:$0x1FF90] =	vst v0;
	v0 =	vsel vm1, $0xFFFFFFFF, v58;
	vm1 =	vmmov $0x7ff  }
0xc: {  	v60 =	vimm.s32 $0x0;
	s29 =	simm.s32 $0x0;
	s3 =	sadd.s32 $0x16E3C00, s0;
	s7 =	sor.u32 s5, s30;
	[tilespmem:$0x1FFA0] =	vst v0;
	v0 =	vsel vm1, $0xFFFFFFFF, v59;
	vm1 =	vmmov $0xfff  }
0xd: {  	v61 =	vimm.s32 $0x0;
	s4 =	sadd.s32 $0xF42A00, s0;
	s5 =	ssub.s32 $0x2, s5;
	s8 =	smul.u32 $0x500, s7;
	[tilespmem:$0x1FFB0] =	vst v0;
	v0 =	vsel vm1, $0xFFFFFFFF, v60;
	vm1 =	vmmov $0x1fff  }
0xe: {  	v62 =	vimm.s32 $0x0;
	s9 =	sshll.u32 s7, $0xB;
	s10 =	sshrl.u32 s5, $0x1;
	s7 =	sshll.u32 s7, $0x6;
	[tilespmem:$0x1FFC0] =	vst v0;
	v0 =	vsel vm1, $0xFFFFFFFF, v61;
	vm1 =	vmmov $0x3fff  }
0xf: {  	v63 =	vimm.s32 $0x0;
	s31 =	ssub.s32 s5, s10;
	s1 =	sadd.s32 s1, s7;
	s6 =	sadd.s32 s6, s7;
	[tilespmem:$0x1FFD0] =	vst v0;
	v0 =	vsel vm1, $0xFFFFFFFF, v62;
	vm1 =	vmmov $0x7fff  }
0x10: {  	s8 =	sadd.s32 s8, s0;
	s0 =	sadd.s32 s9, s0;
	[dreg:$0x4] =	wrdreg s1;
	[tilespmem:$0x1FFE0] =	vst v0;
	v0 =	vsel vm1, $0xFFFFFFFF, v63  }
0x11: {  	vm0 =	vmmov $0x1;
	s9 =	smax.u32 s31, $0x1;
	s7 =	sadd.s32 $0x600, s8;
	s8 =	sadd.s32 $0xA600, s0;
	[tilespmem:$0x1FFF0] =	vst v0  }
.LBB2_1:
0x12: {  	s0 =	rddreg [dreg:$0x4]  }
0x13: {  	[tilespmem:s2], [sflag:$0x1] =	stream.linear.gather [hbm4b:s0+s2], $0x200, $0x38;
	[tilespmem:$0x19000] =	vst v63  }
0x14: {  	s31 =	simm.s32 $0x200  }
0x15: {  	[tilespmem:s31], [sflag:$0x3] =	stream.linear.gather [hbm4b:s6+s2], $0x200, $0x38;
	[tilespmem:$0x19000] =	vst v63  }
0x16: {  	s1 =	simm.s32 $0x400  }
0x17: {  	[tilespmem:s1], [sflag:$0x5] =	stream.linear.gather [hbm4b:s7+s2], $0x2800, $0x38;
	[tilespmem:$0x19000] =	vst v63  }
0x18: {  	_ =	swait.ge [sflag:s12], $0x200  }
0x19: {  	[sflag:s12] =	ssyncset.done $0x0  }
0x1a: {  	[sflag:s12] =	ssyncadd.s32 $0xFFFFFE00  }
0x1b: {  	_ =	swait.ge [sflag:s13], $0x200  }
0x1c: {  	[sflag:s13] =	ssyncset.done $0x0  }
0x1d: {  	[sflag:s13] =	ssyncadd.s32 $0xFFFFFE00  }
0x1e: {  	_ =	swait.ge [sflag:s14], $0x2800  }
0x1f: {  	[sflag:s14] =	ssyncset.done $0x0  }
0x20: {  	[sflag:s14] =	ssyncadd.s32 $0xFFFFD800  }
0x21: {  	[tilespmem:s16], [sflag:$0x1] =	stream.indirect.gather [hbm4b:s3+s15], $0x40, s2, s15, $0xb8;
	[tilespmem:$0x19000] =	vst v63  }
0x22: {  	_ = 	snop  }
0x23: {  	[tilespmem:s17], [sflag:$0x3] =	stream.indirect.gather [hbm4b:s4+s15], $0x40, s31, s15, $0xb8;
	[tilespmem:$0x19000] =	vst v63  }
0x24: {  	s30 =	simm.s32 $0x0  }
0x25: {  	[tilespmem:s19], [sflag:$0x5] =	stream.indirect.gather [hbm4b:s4+s18], $0x40, s1, s18, $0xb8;
	[tilespmem:$0x19000] =	vst v63  }
.LBB2_2:
0x26: {  	s31 =	sshllo.u32 s30, $0x1  }
0x27: {  	s0 =	sshll.u32 s31, $0x5;
	s1 =	smul.u32 $0xA00, s31  }
0x28: {  	[tilespmem:s20], [sflag:$0x2] =	stream.indirect.gather [hbm4b:s3+s15], $0x40, s0, s15, $0xb8;
	[tilespmem:$0x19000] =	vst v63  }
0x29: {  	s0 =	sadd.s32 $0x200, s0;
	s11 =	sshra.s32 s1, $0x2  }
0x2a: {  	[tilespmem:s21], [sflag:$0x4] =	stream.indirect.gather [hbm4b:s4+s15], $0x40, s0, s15, $0xb8;
	[tilespmem:$0x19000] =	vst v63  }
0x2b: {  	s0 =	sadd.s32 $0x400, s11  }
0x2c: {  	[tilespmem:s22], [sflag:$0x6] =	stream.indirect.gather [hbm4b:s4+s18], $0x40, s0, s18, $0xb8;
	[tilespmem:$0x19000] =	vst v63  }
0x2d: {  	_ =	swait.ge [sflag:s12], $0x800  }
0x2e: {  	[sflag:s12] =	ssyncset.done $0x0  }
0x2f: {  	[sflag:s12] =	ssyncadd.s32 $0xFFFFF800  }
0x30: {  	_ =	swait.ge [sflag:s13], $0x800  }
0x31: {  	[sflag:s13] =	ssyncset.done $0x0  }
0x32: {  	[sflag:s13] =	ssyncadd.s32 $0xFFFFF800  }
0x33: {  	_ =	swait.ge [sflag:s14], $0xA000  }
0x34: {  	v0 =	vld [tilespmem:$0x1FF30]  }
0x35: {  	v52 =	vld [tilespmem:$0x1FF40]  }
0x36: {  	v53 =	vld [tilespmem:$0x1FF50]  }
0x37: {  	v54 =	vld [tilespmem:$0x1FF60]  }
0x38: {  	v55 =	vld [tilespmem:$0x1FF70]  }
0x39: {  	v56 =	vld [tilespmem:$0x1FF80]  }
0x3a: {  	v57 =	vld [tilespmem:$0x1FF90]  }
0x3b: {  	v58 =	vld [tilespmem:$0x1FFA0]  }
0x3c: {  	v59 =	vld [tilespmem:$0x1FFB0]  }
0x3d: {  	v60 =	vld [tilespmem:$0x1FFC0]  }
0x3e: {  	v61 =	vld [tilespmem:$0x1FFD0]  }
0x3f: {  	v62 =	vld [tilespmem:$0x1FFE0]  }
0x40: {  	v63 =	vld [tilespmem:$0x1FFF0]  }
0x41: {  	vm15 =	vcmask $0xF14;
	vm3 =	vnez.u8 v0  }
0x42: {  	vm4 =	vnez.u8 v52;
	vm5 =	vnez.u8 v53;
	vm6 =	vnez.u8 v54  }
0x43: {  	vm7 =	vnez.u8 v55;
	vm8 =	vnez.u8 v56;
	vm9 =	vnez.u8 v57  }
0x44: {  	s10 =	simm.s32 $0x18C10;
	s1 =	sshll.u32 s30, $0x1;
	[sflag:s14] =	ssyncset.done $0x0;
	vm10 =	vnez.u8 v58;
	vm11 =	vnez.u8 v59;
	vm12 =	vnez.u8 v60  }
0x45: {  	s11 =	simm.s32 $0x4E80;
	s0 =	simm.s32 $0x0;
	[sflag:s14] =	ssyncadd.s32 $0xFFFF6000;
	vm13 =	vnez.u8 v61;
	vm14 =	vnez.u8 v62;
	vm2 =	vnez.u8 v63  }
.LBB2_3:
0x46: {  	v8 =	vld [tilespmem:s11+$0xFFFFFD80]  }
0x47: {  	v9 =	vld [tilespmem:s11+$0xFFFFFD90]  }
0x48: {  	v10 =	vld [tilespmem:s11+$0xFFFFFDA0]  }
0x49: {  	v11 =	vld [tilespmem:s11+$0xFFFFFDB0]  }
0x4a: {  	v12 =	vld [tilespmem:s11+$0xFFFFFDC0]  }
0x4b: {  	v13 =	vld [tilespmem:s11+$0xFFFFFDD0]  }
0x4c: {  	v14 =	vld [tilespmem:s11+$0xFFFFFDE0]  }
0x4d: {  	v15 =	vld [tilespmem:s11+$0xFFFFFDF0]  }
0x4e: {  	v16 =	vld [tilespmem:s11+$0xFFFFFE00]  }
0x4f: {  	v17 =	vld [tilespmem:s11+$0xFFFFFE10]  }
0x50: {  	v18 =	vld [tilespmem:s11+$0xFFFFFE20]  }
0x51: {  	v19 =	vld [tilespmem:s11+$0xFFFFFE30]  }
0x52: {  	v20 =	vld [tilespmem:s11+$0xFFFFFE40]  }
0x53: {  	v21 =	vld [tilespmem:s11+$0xFFFFFE50]  }
0x54: {  	v22 =	vld [tilespmem:s11+$0xFFFFFE60]  }
0x55: {  	v23 =	vld [tilespmem:s11+$0xFFFFFE70]  }
0x56: {  	v24 =	vld [tilespmem:s11+$0xFFFFFE80]  }
0x57: {  	v25 =	vld [tilespmem:s11+$0xFFFFFE90]  }
0x58: {  	v26 =	vld [tilespmem:s11+$0xFFFFFEA0]  }
0x59: {  	v27 =	vld [tilespmem:s11+$0xFFFFFEB0]  }
0x5a: {  	v28 =	vld [tilespmem:s11+$0xFFFFFEC0]  }
0x5b: {  	v29 =	vld [tilespmem:s11+$0xFFFFFED0]  }
0x5c: {  	v30 =	vld [tilespmem:s11+$0xFFFFFEE0]  }
0x5d: {  	v31 =	vld [tilespmem:s11+$0xFFFFFEF0]  }
0x5e: {  	v32 =	vld [tilespmem:s11+$0xFFFFFF00]  }
0x5f: {  	v33 =	vld [tilespmem:s11+$0xFFFFFF10]  }
0x60: {  	v34 =	vld [tilespmem:s11+$0xFFFFFF20]  }
0x61: {  	v35 =	vld [tilespmem:s11+$0xFFFFFF30]  }
0x62: {  	v36 =	vld [tilespmem:s11+$0xFFFFFF40]  }
0x63: {  	v37 =	vld [tilespmem:s11+$0xFFFFFF50]  }
0x64: {  	v38 =	vld [tilespmem:s11+$0xFFFFFF60]  }
0x65: {  	s5 =	sshra.s32 s0, $0x2;
	v39 =	vld [tilespmem:s11+$0xFFFFFF70]  }
0x66: {  	v2 =	vld [tilespmem:s5+$0x2C00]  }
0x67: {  	v3 =	vld [tilespmem:s5+$0x2C10]  }
0x68: {  	v1 =	vld [tilespmem:s5+$0x2C20]  }
0x69: {  	v4 =	vld [tilespmem:s5+$0x3C00]  }
0x6a: {  	v5 =	vld [tilespmem:s5+$0x3C10]  }
0x6b: {  	v6 =	vld [tilespmem:s5+$0x3C20]  }
0x6c: {  	v40 =	vld [tilespmem:s11+$0xFFFFFF80]  }
0x6d: {  	v0 =	vld [tilespmem:s5+$0x2C30]  }
0x6e: {  	v7 =	vld [tilespmem:s5+$0x3C30]  }
0x6f: {  	v41 =	vld [tilespmem:s11+$0xFFFFFF90];
	v4 =	vmul.f32 v4, v2;
	v5 =	vmul.f32 v5, v3  }
0x70: {  	v42 =	vld [tilespmem:s11+$0xFFFFFFA0];
	v6 =	vmul.f32 v6, v1;
	v62 =	vmul.f32 v8, v2  }
0x71: {  	v43 =	vld [tilespmem:s11+$0xFFFFFFB0];
	v63 =	vmul.f32 v9, v3;
	v12 =	vmul.f32 v12, v2  }
0x72: {  	v44 =	vld [tilespmem:s11+$0xFFFFFFD0];
	v13 =	vmul.f32 v13, v3;
	v48 =	vmul.f32 v10, v1  }
0x73: {  	v9 =	vld [tilespmem:s11+$0xFFFFFFC0];
	v7 =	vmul.f32 v7, v0;
	v50 =	vmul.f32 v14, v1  }
0x74: {  	v8 =	vld [tilespmem:s11+$0xFFFFFFE0];
	v51 =	vmul.f32 v11, v0;
	v53 =	vmul.f32 v15, v0  }
0x75: {  	v11 =	vld [tilespmem:s11+$0x0];
	v54 =	vmul.f32 v16, v2;
	v55 =	vmul.f32 v17, v3  }
0x76: {  	v15 =	vld [tilespmem:s11+$0x20];
	v56 =	vmul.f32 v20, v2;
	v57 =	vmul.f32 v21, v3  }
0x77: {  	v17 =	vld [tilespmem:s11+$0x30];
	v58 =	vmul.f32 v18, v1;
	v59 =	vmul.f32 v19, v0  }
0x78: {  	v19 =	vld [tilespmem:s11+$0x40];
	v60 =	vmul.f32 v22, v1;
	v61 =	vmul.f32 v23, v0  }
0x79: {  	v21 =	vld [tilespmem:s11+$0x50];
	v28 =	vmul.f32 v28, v2;
	v45 =	vmul.f32 v29, v3  }
0x7a: {  	v23 =	vld [tilespmem:s11+$0x60];
	v46 =	vmul.f32 v26, v1;
	v47 =	vmul.f32 v30, v1  }
0x7b: {  	v22 =	vld [tilespmem:s11+$0x80];
	v27 =	vmul.f32 v27, v0;
	v4 =	vadd.f32 v5, v4;
	v5 =	vadd.f32 v63, v62  }
0x7c: {  	v30 =	vld [tilespmem:s11+$0xB0];
	v31 =	vmul.f32 v31, v0;
	v49 =	vadd.f32 v13, v12;
	v10 =	vadd.f32 v57, v56  }
0x7d: {  	v29 =	vld [tilespmem:s11+$0x130];
	v62 =	vmul.f32 v24, v2;
	v63 =	vmul.f32 v25, v3;
	v4 =	vadd.f32 v6, v4  }
0x7e: {  	v13 =	vld [tilespmem:s11+$0xFFFFFFF0];
	v56 =	vmul.f32 v35, v0;
	v5 =	vadd.f32 v48, v5;
	v52 =	vadd.f32 v50, v49  }
0x7f: {  	v12 =	vld [tilespmem:s11+$0x10];
	v6 =	vadd.f32 v55, v54;
	v48 =	vmul.f32 v32, v2;
	v49 =	vmul.f32 v33, v3  }
0x80: {  	v25 =	vld [tilespmem:s11+$0x70];
	v10 =	vadd.f32 v60, v10;
	v50 =	vmul.f32 v36, v2;
	v54 =	vmul.f32 v38, v1  }
0x81: {  	v24 =	vld [tilespmem:s11+$0x90];
	v14 =	vadd.f32 v63, v62;
	v60 =	vmul.f32 v41, v3;
	v62 =	vmul.f32 v42, v1  }
0x82: {  	v16 =	vadd.f32 v45, v28;
	v28 =	vld [tilespmem:s11+$0xA0];
	v63 =	vmul.f32 v43, v0;
	v9 =	vmul.f32 v9, v2  }
0x83: {  	v57 =	vld [tilespmem:s11+$0xE0];
	v8 =	vmul.f32 v8, v1;
	v11 =	vmul.f32 v11, v2  }
0x84: {  	v35 =	vld [tilespmem:s11+$0x100];
	v16 =	vadd.f32 v47, v16;
	v41 =	vmul.f32 v21, v3;
	v43 =	vmul.f32 v15, v1  }
0x85: {  	v55 =	vld [tilespmem:s11+$0xD0];
	v45 =	vmul.f32 v23, v1;
	v47 =	vmul.f32 v22, v2;
	v4 =	vadd.f32 v7, v4  }
0x86: {  	v36 =	vld [tilespmem:s11+$0x110];
	v17 =	vmul.f32 v17, v0;
	v5 =	vadd.f32 v51, v5;
	v7 =	vadd.f32 v53, v52  }
0x87: {  	v38 =	vld [tilespmem:s11+$0x120];
	v6 =	vadd.f32 v58, v6;
	v10 =	vadd.f32 v61, v10;
	v51 =	vmul.f32 v37, v3  }
0x88: {  	v42 =	vld [tilespmem:s11+$0x150];
	v14 =	vadd.f32 v46, v14;
	v52 =	vmul.f32 v34, v1;
	v58 =	vmul.f32 v39, v0  }
0x89: {  	v18 =	vadd.f32 v49, v48;
	v53 =	vld [tilespmem:s11+$0xC0];
	v61 =	vmul.f32 v44, v3;
	v13 =	vmul.f32 v13, v0  }
0x8a: {  	v16 =	vadd.f32 v31, v16;
	v31 =	vld [tilespmem:s11+$0xF0];
	v12 =	vmul.f32 v12, v3;
	v48 =	vmul.f32 v24, v3  }
0x8b: {  	v39 =	vld [tilespmem:s11+$0x140];
	v25 =	vmul.f32 v25, v0;
	v6 =	vadd.f32 v59, v6;
	v20 =	vadd.f32 v51, v50  }
0x8c: {  	v44 =	vld [tilespmem:s11+$0x160];
	v14 =	vadd.f32 v27, v14;
	v18 =	vadd.f32 v52, v18;
	v59 =	vmul.f32 v40, v2  }
0x8d: {  	v46 =	vld [tilespmem:s11+$0x170];
	v9 =	vadd.f32 v61, v9;
	v40 =	vmul.f32 v19, v2;
	v11 =	vadd.f32 v12, v11  }
0x8e: {  	v49 =	vld [tilespmem:s11+$0x180];
	v51 =	vmul.f32 v55, v3;
	v12 =	vadd.f32 v48, v47;
	v55 =	vmul.f32 v57, v1  }
0x8f: {  	v52 =	vld [tilespmem:s11+$0x190];
	v38 =	vmul.f32 v38, v1;
	v20 =	vadd.f32 v54, v20;
	v18 =	vadd.f32 v56, v18  }
0x90: {  	v26 =	vadd.f32 v60, v59;
	v8 =	vadd.f32 v8, v9;
	v54 =	vld [tilespmem:s11+$0x1A0];
	v50 =	vmul.f32 v53, v2  }
0x91: {  	v9 =	vadd.f32 v41, v40;
	v56 =	vld [tilespmem:s11+$0x1B0];
	v53 =	vmul.f32 v28, v1;
	v61 =	vmul.f32 v31, v0  }
0x92: {  	v59 =	vld [tilespmem:s11+$0x1C0];
	v11 =	vadd.f32 v43, v11;
	v34 =	vmul.f32 v39, v2;
	v39 =	vmul.f32 v29, v0  }
0x93: {  	(xrf2) =	vadd.scan.msk.f32 $0xffff, v4;
	v40 =	vld [tilespmem:s11+$0x200];
	v41 =	vmul.f32 v44, v1;
	v20 =	vadd.f32 v58, v20;
	v26 =	vadd.f32 v62, v26  }
0x94: {  	(xrf2) =	vadd.scan.msk.f32 $0xffff, v5;
	v31 =	vld [tilespmem:s11+$0x1E0];
	v44 =	vmul.f32 v49, v2;
	v8 =	vadd.f32 v13, v8;
	v9 =	vadd.f32 v45, v9  }
0x95: {  	(xrf2) =	vadd.scan.msk.f32 $0xffff, v7;
	v43 =	vld [tilespmem:s11+$0x210];
	v58 =	vmul.f32 v30, v0;
	v30 =	vmul.f32 v36, v3;
	v13 =	vadd.f32 v51, v50  }
0x96: {  	(xrf2) =	vadd.scan.msk.f32 $0xffff, v6;
	v62 =	vld [tilespmem:s11+$0x1D0];
	v4 =	vadd.f32 v17, v11;
	v57 =	vadd.f32 v53, v12;
	v45 =	vmul.f32 v52, v3  }
0x97: {  	v36 =	vld [tilespmem:s11+$0x1F0];
	(xrf2) =	vadd.scan.msk.f32 $0xffff, v10;
	v26 =	vadd.f32 v63, v26;
	v5 =	vadd.f32 v25, v9;
	v63 =	vmul.f32 v35, v2  }
0x98: {  	v49 =	vld [tilespmem:s11+$0x250];
	(xrf2) =	vadd.scan.msk.f32 $0xffff, v14;
	v35 =	vmul.f32 v42, v3;
	v42 =	vmul.f32 v46, v0;
	v60 =	vadd.f32 v55, v13  }
0x99: {  	v51 =	vld [tilespmem:s11+$0x220];
	(xrf2) =	vadd.scan.msk.f32 $0xffff, v16;
	v7 =	vadd.f32 v58, v57;
	v47 =	vmul.f32 v59, v2;
	v11 =	vadd.f32 v45, v44  }
0x9a: {  	v53 =	vld [tilespmem:s11+$0x260];
	(xrf2) =	vadd.scan.msk.f32 $0xffff, v18;
	v50 =	vmul.f32 v54, v1;
	v56 =	vmul.f32 v56, v0;
	v37 =	vadd.f32 v30, v63  }
0x9b: {  	v46 =	vld [tilespmem:s11+$0x240];
	v9 =	vadd.f32 v35, v34;
	(xrf2) =	vadd.scan.msk.f32 $0xffff, v20;
	v52 =	vmul.f32 v31, v1;
	v48 =	vmul.f32 v62, v3  }
0x9c: {  	v33 =	vadd.f32 v61, v60;
	(xrf2) =	vadd.scan.msk.f32 $0xffff, v26;
	v57 =	vmul.f32 v36, v0;
	v61 =	vmul.f32 v40, v2  }
0x9d: {  	v58 =	vld [tilespmem:s11+$0x230];
	v55 =	vadd.f32 v50, v11;
	v62 =	vmul.f32 v43, v3;
	v3 =	vmul.f32 v49, v3;
	v54, _, _ =	vpop (xrf2);
	(xrf2) =	vadd.scan.msk.f32 $0xffff, v8  }
0x9e: {  	v63 =	vld [tilespmem:s11+$0x270];
	v10 =	vadd.f32 v38, v37;
	v9 =	vadd.f32 v41, v9;
	v28 =	vmul.f32 v51, v1;
	v59, _, _ =	vpop (xrf2);
	(xrf2) =	vadd.scan.msk.f32 $0xffff, v4  }
0x9f: {  	v1 =	vmul.f32 v53, v1;
	v13 =	vadd.f32 v48, v47;
	v25 =	vadd.f32 v56, v55;
	v24, _, _ =	vpop (xrf2);
	(xrf2) =	vadd.scan.msk.f32 $0xffff, v5  }
0xa0: {  	v2 =	vmul.f32 v46, v2;
	v27 =	vadd.f32 v62, v61;
	v10 =	vadd.f32 v39, v10;
	v39 =	vld [tilespmem:$0x1FF20];
	v26, _, _ =	vpop (xrf2);
	(xrf2) =	vadd.scan.msk.f32 $0xffff, v7  }
0xa1: {  	v30 =	vbroadcast v54, $0xF;
	v9 =	vadd.f32 v42, v9;
	v32 =	vbroadcast v59, $0xF;
	v29, _, _ =	vpop (xrf2);
	(xrf2) =	vadd.scan.msk.f32 $0xffff, v33  }
0xa2: {  	v60 =	vadd.f32 v52, v13;
	v2 =	vadd.f32 v3, v2;
	v35 =	vbroadcast v24, $0xF;
	v31, _, _ =	vpop (xrf2);
	(xrf2) =	vadd.scan.msk.f32 $0xffff, v10  }
0xa3: {  	v7 =	vadd.f32 v28, v27;
	v33 =	vmul.f32 v58, v0;
	v0 =	vmul.f32 v63, v0;
	v34, _, _ =	vpop (xrf2);
	(xrf2) =	vadd.scan.msk.f32 $0xffff, v9  }
0xa4: {  	v3 =	vsel vm0, v30, v32;
	v4 =	vadd.f32 v57, v60;
	v1 =	vadd.f32 v1, v2;
	v36, _, _ =	vpop (xrf2);
	(xrf2) =	vadd.scan.msk.f32 $0xffff, v25  }
0xa5: {  	v38 =	vbroadcast v26, $0xF;
	v37 =	vadd.f32 v33, v7;
	vm1 =	vnez.u8 v39;
	v40, _, _ =	vpop (xrf2)  }
0xa6: {  	v41 =	vbroadcast v29, $0xF;
	v0 =	vadd.f32 v0, v1;
	v2 =	vsel vm1, v3, v35;
	(xrf2) =	vadd.scan.msk.f32 $0xffff, v4;
	v42, _, _ =	vpop (xrf2)  }
0xa7: {  	v43 =	vbroadcast v31, $0xF;
	v2 =	vsel vm3, v2, v38;
	(xrf2) =	vadd.scan.msk.f32 $0xffff, v37;
	v45, _, _ =	vpop (xrf2)  }
0xa8: {  	v44 =	vbroadcast v34, $0xF;
	v1 =	vsel vm4, v2, v41;
	(xrf2) =	vadd.scan.msk.f32 $0xffff, v0;
	v46, _, _ =	vpop (xrf2)  }
0xa9: {  	v47 =	vbroadcast v36, $0xF;
	v1 =	vsel vm5, v1, v43;
	v48, _, _ =	vpop (xrf2)  }
0xaa: {  	v49 =	vbroadcast v40, $0xF;
	v1 =	vsel vm6, v1, v44;
	v50, _, _ =	vpop (xrf2)  }
0xab: {  	v4 =	vbroadcast v42, $0xF;
	v1 =	vsel vm7, v1, v47;
	v51, _, _ =	vpop (xrf2)  }
0xac: {  	vm1 =	vmmov vm15;
	v52 =	vbroadcast v45, $0xF;
	v1 =	vsel vm8, v1, v49;
	v53, _, _ =	vpop (xrf2)  }
0xad: {  	vm15 =	vcmask $0x314;
	v0 =	vbroadcast v46, $0xF;
	v1 =	vsel vm9, v1, v4;
	v54, _, _ =	vpop (xrf2)  }
0xae: {  	v55 =	vbroadcast v48, $0xF;
	v1 =	vsel vm10, v1, v52;
	v56, _, _ =	vpop (xrf2);
	v57 =	vbroadcast v54, $0xF  }
0xaf: {  	v59 =	vbroadcast v50, $0xF;
	v0 =	vsel vm11, v1, v0;
	v60 =	vbroadcast v56, $0xF  }
0xb0: {  	v5 =	vbroadcast v51, $0xF;
	v58, _, _ =	vpop (xrf2);
	v0 =	vsel vm12, v0, v55;
	v1 =	vnsel vm0, $0x0, v57  }
0xb1: {  	p0 =	sne.s32 s0, $0x1F00;
	v61, _, _ =	vpop (xrf2);
	v4 =	vbroadcast v58, $0xF;
	v0 =	vsel vm13, v0, v59;
	v1 =	vsel vm15, v1, v60  }
.Ltmp0:
0xb2: {  	v62 =	vbroadcast v61, $0xF;
	v63, _, _ =	vpop (xrf2);
	v0 =	vsel vm14, v0, v5;
	vm15 =	vcmask $0x714;
	(pc) =	sbr.rel @p0 .LBB2_3-.Ltmp0, $4  }
0xb3: {  	v1 =	vsel vm15, v1, v4;
	v3 =	vbroadcast v63, $0xF;
	vm15 =	vcmask $0xB14  }
0xb4: {  	v0 =	vsel vm2, v0, v53;
	v1 =	vsel vm15, v1, v62  }
0xb5: {  	[tilespmem:s10+$0xFFFFFFF0] =	vst v0;
	v1 =	vsel vm1, v1, v3  }
0xb6: {  	s0 =	sadd.s32 $0x100, s0;
	s11 =	sadd.s32 $0x500, s11;
	vm15 =	vmmov vm1;
	[tilespmem:s10+$0x0] =	vst v1;
	s10 =	sadd.s32 $0x20, s10  }
0xb7: {  	s0 =	sshll.u32 s30, $0x8  }
0xb8: {  	s5 =	sadd.s32 s0, s8;
	s0 =	simm.s32 $0x0  }
0xb9: {  	[hbm4b:s5+s0] =	stream.linear.scatter [tilespmem:s23], [sflag:$0x7], $0x400, $0x38;
	[tilespmem:$0x19000] =	vst v63  }
0xba: {  	s1 =	smin.u32 s1, $0xD;
	_ =	swait.ge [sflag:s24], $0x400  }
0xbb: {  	s1 =	sadd.s32 $0x2, s1;
	[sflag:s24] =	ssyncset.done $0x0  }
0xbc: {  	s11 =	sshll.u32 s1, $0x5;
	s1 =	smul.u32 $0xA00, s1;
	[sflag:s24] =	ssyncadd.s32 $0xFFFFFC00  }
0xbd: {  	[tilespmem:s16], [sflag:$0x1] =	stream.indirect.gather [hbm4b:s3+s15], $0x40, s11, s15, $0xb8;
	[tilespmem:$0x19000] =	vst v63  }
0xbe: {  	s5 =	sadd.s32 $0x200, s11;
	s1 =	sshrl.u32 s1, $0x2  }
0xbf: {  	[tilespmem:s17], [sflag:$0x3] =	stream.indirect.gather [hbm4b:s4+s15], $0x40, s5, s15, $0xb8;
	[tilespmem:$0x19000] =	vst v63  }
0xc0: {  	s1 =	sadd.s32 $0x400, s1  }
0xc1: {  	[tilespmem:s19], [sflag:$0x5] =	stream.indirect.gather [hbm4b:s4+s18], $0x40, s1, s18, $0xb8;
	[tilespmem:$0x19000] =	vst v63  }
0xc2: {  	_ =	swait.ge [sflag:s25], $0x800  }
0xc3: {  	[sflag:s25] =	ssyncset.done $0x0  }
0xc4: {  	[sflag:s25] =	ssyncadd.s32 $0xFFFFF800  }
0xc5: {  	_ =	swait.ge [sflag:s26], $0x800  }
0xc6: {  	[sflag:s26] =	ssyncset.done $0x0  }
0xc7: {  	[sflag:s26] =	ssyncadd.s32 $0xFFFFF800  }
0xc8: {  	_ =	swait.ge [sflag:s28], $0xA000  }
0xc9: {  	[sflag:s28] =	ssyncset.done $0x0  }
0xca: {  	s10 =	simm.s32 $0xEE80;
	s1 =	simm.s32 $0x18C10;
	[sflag:s28] =	ssyncadd.s32 $0xFFFF6000  }
.LBB2_5:
0xcb: {  	v8 =	vld [tilespmem:s10+$0xFFFFFD80]  }
0xcc: {  	v9 =	vld [tilespmem:s10+$0xFFFFFD90]  }
0xcd: {  	v10 =	vld [tilespmem:s10+$0xFFFFFDA0]  }
0xce: {  	v11 =	vld [tilespmem:s10+$0xFFFFFDB0]  }
0xcf: {  	v12 =	vld [tilespmem:s10+$0xFFFFFDC0]  }
0xd0: {  	v13 =	vld [tilespmem:s10+$0xFFFFFDD0]  }
0xd1: {  	v14 =	vld [tilespmem:s10+$0xFFFFFDE0]  }
0xd2: {  	v15 =	vld [tilespmem:s10+$0xFFFFFDF0]  }
0xd3: {  	v16 =	vld [tilespmem:s10+$0xFFFFFE00]  }
0xd4: {  	v17 =	vld [tilespmem:s10+$0xFFFFFE10]  }
0xd5: {  	v18 =	vld [tilespmem:s10+$0xFFFFFE20]  }
0xd6: {  	v19 =	vld [tilespmem:s10+$0xFFFFFE30]  }
0xd7: {  	v20 =	vld [tilespmem:s10+$0xFFFFFE40]  }
0xd8: {  	v21 =	vld [tilespmem:s10+$0xFFFFFE50]  }
0xd9: {  	v22 =	vld [tilespmem:s10+$0xFFFFFE60]  }
0xda: {  	v23 =	vld [tilespmem:s10+$0xFFFFFE70]  }
0xdb: {  	v24 =	vld [tilespmem:s10+$0xFFFFFE80]  }
0xdc: {  	v25 =	vld [tilespmem:s10+$0xFFFFFE90]  }
0xdd: {  	v26 =	vld [tilespmem:s10+$0xFFFFFEA0]  }
0xde: {  	v27 =	vld [tilespmem:s10+$0xFFFFFEB0]  }
0xdf: {  	v28 =	vld [tilespmem:s10+$0xFFFFFEC0]  }
0xe0: {  	v29 =	vld [tilespmem:s10+$0xFFFFFED0]  }
0xe1: {  	v30 =	vld [tilespmem:s10+$0xFFFFFEE0]  }
0xe2: {  	v31 =	vld [tilespmem:s10+$0xFFFFFEF0]  }
0xe3: {  	v32 =	vld [tilespmem:s10+$0xFFFFFF00]  }
0xe4: {  	v33 =	vld [tilespmem:s10+$0xFFFFFF10]  }
0xe5: {  	v34 =	vld [tilespmem:s10+$0xFFFFFF20]  }
0xe6: {  	v35 =	vld [tilespmem:s10+$0xFFFFFF30]  }
0xe7: {  	v36 =	vld [tilespmem:s10+$0xFFFFFF40]  }
0xe8: {  	v37 =	vld [tilespmem:s10+$0xFFFFFF50]  }
0xe9: {  	v38 =	vld [tilespmem:s10+$0xFFFFFF60]  }
0xea: {  	s5 =	sshra.s32 s0, $0x2;
	v39 =	vld [tilespmem:s10+$0xFFFFFF70]  }
0xeb: {  	v2 =	vld [tilespmem:s5+$0x3400]  }
0xec: {  	v3 =	vld [tilespmem:s5+$0x3410]  }
0xed: {  	v1 =	vld [tilespmem:s5+$0x3420]  }
0xee: {  	v4 =	vld [tilespmem:s5+$0x4400]  }
0xef: {  	v5 =	vld [tilespmem:s5+$0x4410]  }
0xf0: {  	v6 =	vld [tilespmem:s5+$0x4420]  }
0xf1: {  	v40 =	vld [tilespmem:s10+$0xFFFFFF80]  }
0xf2: {  	v0 =	vld [tilespmem:s5+$0x3430]  }
0xf3: {  	v7 =	vld [tilespmem:s5+$0x4430]  }
0xf4: {  	v41 =	vld [tilespmem:s10+$0xFFFFFF90];
	v4 =	vmul.f32 v4, v2;
	v5 =	vmul.f32 v5, v3  }
0xf5: {  	v42 =	vld [tilespmem:s10+$0xFFFFFFA0];
	v6 =	vmul.f32 v6, v1;
	v62 =	vmul.f32 v8, v2  }
0xf6: {  	v43 =	vld [tilespmem:s10+$0xFFFFFFB0];
	v63 =	vmul.f32 v9, v3;
	v12 =	vmul.f32 v12, v2  }
0xf7: {  	v44 =	vld [tilespmem:s10+$0xFFFFFFD0];
	v13 =	vmul.f32 v13, v3;
	v48 =	vmul.f32 v10, v1  }
0xf8: {  	v9 =	vld [tilespmem:s10+$0xFFFFFFC0];
	v7 =	vmul.f32 v7, v0;
	v50 =	vmul.f32 v14, v1  }
0xf9: {  	v8 =	vld [tilespmem:s10+$0xFFFFFFE0];
	v51 =	vmul.f32 v11, v0;
	v53 =	vmul.f32 v15, v0  }
0xfa: {  	v11 =	vld [tilespmem:s10+$0x0];
	v54 =	vmul.f32 v16, v2;
	v55 =	vmul.f32 v17, v3  }
0xfb: {  	v15 =	vld [tilespmem:s10+$0x20];
	v56 =	vmul.f32 v20, v2;
	v57 =	vmul.f32 v21, v3  }
0xfc: {  	v17 =	vld [tilespmem:s10+$0x30];
	v58 =	vmul.f32 v18, v1;
	v59 =	vmul.f32 v19, v0  }
0xfd: {  	v19 =	vld [tilespmem:s10+$0x40];
	v60 =	vmul.f32 v22, v1;
	v61 =	vmul.f32 v23, v0  }
0xfe: {  	v21 =	vld [tilespmem:s10+$0x50];
	v28 =	vmul.f32 v28, v2;
	v45 =	vmul.f32 v29, v3  }
0xff: {  	v23 =	vld [tilespmem:s10+$0x60];
	v46 =	vmul.f32 v26, v1;
	v47 =	vmul.f32 v30, v1  }
0x100: {  	v22 =	vld [tilespmem:s10+$0x80];
	v27 =	vmul.f32 v27, v0;
	v4 =	vadd.f32 v5, v4;
	v5 =	vadd.f32 v63, v62  }
0x101: {  	v30 =	vld [tilespmem:s10+$0xB0];
	v31 =	vmul.f32 v31, v0;
	v49 =	vadd.f32 v13, v12;
	v10 =	vadd.f32 v57, v56  }
0x102: {  	v29 =	vld [tilespmem:s10+$0x130];
	v62 =	vmul.f32 v24, v2;
	v63 =	vmul.f32 v25, v3;
	v4 =	vadd.f32 v6, v4  }
0x103: {  	v13 =	vld [tilespmem:s10+$0xFFFFFFF0];
	v56 =	vmul.f32 v35, v0;
	v5 =	vadd.f32 v48, v5;
	v52 =	vadd.f32 v50, v49  }
0x104: {  	v12 =	vld [tilespmem:s10+$0x10];
	v6 =	vadd.f32 v55, v54;
	v48 =	vmul.f32 v32, v2;
	v49 =	vmul.f32 v33, v3  }
0x105: {  	v25 =	vld [tilespmem:s10+$0x70];
	v10 =	vadd.f32 v60, v10;
	v50 =	vmul.f32 v36, v2;
	v54 =	vmul.f32 v38, v1  }
0x106: {  	v24 =	vld [tilespmem:s10+$0x90];
	v14 =	vadd.f32 v63, v62;
	v60 =	vmul.f32 v41, v3;
	v62 =	vmul.f32 v42, v1  }
0x107: {  	v16 =	vadd.f32 v45, v28;
	v28 =	vld [tilespmem:s10+$0xA0];
	v63 =	vmul.f32 v43, v0;
	v9 =	vmul.f32 v9, v2  }
0x108: {  	v57 =	vld [tilespmem:s10+$0xE0];
	v8 =	vmul.f32 v8, v1;
	v11 =	vmul.f32 v11, v2  }
0x109: {  	v35 =	vld [tilespmem:s10+$0x100];
	v16 =	vadd.f32 v47, v16;
	v41 =	vmul.f32 v21, v3;
	v43 =	vmul.f32 v15, v1  }
0x10a: {  	v55 =	vld [tilespmem:s10+$0xD0];
	v45 =	vmul.f32 v23, v1;
	v47 =	vmul.f32 v22, v2;
	v4 =	vadd.f32 v7, v4  }
0x10b: {  	v36 =	vld [tilespmem:s10+$0x110];
	v17 =	vmul.f32 v17, v0;
	v5 =	vadd.f32 v51, v5;
	v7 =	vadd.f32 v53, v52  }
0x10c: {  	v38 =	vld [tilespmem:s10+$0x120];
	v6 =	vadd.f32 v58, v6;
	v10 =	vadd.f32 v61, v10;
	v51 =	vmul.f32 v37, v3  }
0x10d: {  	v42 =	vld [tilespmem:s10+$0x150];
	v14 =	vadd.f32 v46, v14;
	v52 =	vmul.f32 v34, v1;
	v58 =	vmul.f32 v39, v0  }
0x10e: {  	v18 =	vadd.f32 v49, v48;
	v53 =	vld [tilespmem:s10+$0xC0];
	v61 =	vmul.f32 v44, v3;
	v13 =	vmul.f32 v13, v0  }
0x10f: {  	v16 =	vadd.f32 v31, v16;
	v31 =	vld [tilespmem:s10+$0xF0];
	v12 =	vmul.f32 v12, v3;
	v48 =	vmul.f32 v24, v3  }
0x110: {  	v39 =	vld [tilespmem:s10+$0x140];
	v25 =	vmul.f32 v25, v0;
	v6 =	vadd.f32 v59, v6;
	v20 =	vadd.f32 v51, v50  }
0x111: {  	v44 =	vld [tilespmem:s10+$0x160];
	v14 =	vadd.f32 v27, v14;
	v18 =	vadd.f32 v52, v18;
	v59 =	vmul.f32 v40, v2  }
0x112: {  	v46 =	vld [tilespmem:s10+$0x170];
	v9 =	vadd.f32 v61, v9;
	v40 =	vmul.f32 v19, v2;
	v11 =	vadd.f32 v12, v11  }
0x113: {  	v49 =	vld [tilespmem:s10+$0x180];
	v51 =	vmul.f32 v55, v3;
	v12 =	vadd.f32 v48, v47;
	v55 =	vmul.f32 v57, v1  }
0x114: {  	v52 =	vld [tilespmem:s10+$0x190];
	v38 =	vmul.f32 v38, v1;
	v20 =	vadd.f32 v54, v20;
	v18 =	vadd.f32 v56, v18  }
0x115: {  	v26 =	vadd.f32 v60, v59;
	v8 =	vadd.f32 v8, v9;
	v54 =	vld [tilespmem:s10+$0x1A0];
	v50 =	vmul.f32 v53, v2  }
0x116: {  	v9 =	vadd.f32 v41, v40;
	v56 =	vld [tilespmem:s10+$0x1B0];
	v53 =	vmul.f32 v28, v1;
	v61 =	vmul.f32 v31, v0  }
0x117: {  	v59 =	vld [tilespmem:s10+$0x1C0];
	v11 =	vadd.f32 v43, v11;
	v34 =	vmul.f32 v39, v2;
	v39 =	vmul.f32 v29, v0  }
0x118: {  	(xrf2) =	vadd.scan.msk.f32 $0xffff, v4;
	v40 =	vld [tilespmem:s10+$0x200];
	v41 =	vmul.f32 v44, v1;
	v20 =	vadd.f32 v58, v20;
	v26 =	vadd.f32 v62, v26  }
0x119: {  	(xrf2) =	vadd.scan.msk.f32 $0xffff, v5;
	v31 =	vld [tilespmem:s10+$0x1E0];
	v44 =	vmul.f32 v49, v2;
	v8 =	vadd.f32 v13, v8;
	v9 =	vadd.f32 v45, v9  }
0x11a: {  	(xrf2) =	vadd.scan.msk.f32 $0xffff, v7;
	v43 =	vld [tilespmem:s10+$0x210];
	v58 =	vmul.f32 v30, v0;
	v30 =	vmul.f32 v36, v3;
	v13 =	vadd.f32 v51, v50  }
0x11b: {  	(xrf2) =	vadd.scan.msk.f32 $0xffff, v6;
	v62 =	vld [tilespmem:s10+$0x1D0];
	v4 =	vadd.f32 v17, v11;
	v57 =	vadd.f32 v53, v12;
	v45 =	vmul.f32 v52, v3  }
0x11c: {  	v36 =	vld [tilespmem:s10+$0x1F0];
	(xrf2) =	vadd.scan.msk.f32 $0xffff, v10;
	v26 =	vadd.f32 v63, v26;
	v5 =	vadd.f32 v25, v9;
	v63 =	vmul.f32 v35, v2  }
0x11d: {  	v49 =	vld [tilespmem:s10+$0x250];
	(xrf2) =	vadd.scan.msk.f32 $0xffff, v14;
	v35 =	vmul.f32 v42, v3;
	v42 =	vmul.f32 v46, v0;
	v60 =	vadd.f32 v55, v13  }
0x11e: {  	v51 =	vld [tilespmem:s10+$0x220];
	(xrf2) =	vadd.scan.msk.f32 $0xffff, v16;
	v7 =	vadd.f32 v58, v57;
	v47 =	vmul.f32 v59, v2;
	v11 =	vadd.f32 v45, v44  }
0x11f: {  	v53 =	vld [tilespmem:s10+$0x260];
	(xrf2) =	vadd.scan.msk.f32 $0xffff, v18;
	v50 =	vmul.f32 v54, v1;
	v56 =	vmul.f32 v56, v0;
	v37 =	vadd.f32 v30, v63  }
0x120: {  	v46 =	vld [tilespmem:s10+$0x240];
	v9 =	vadd.f32 v35, v34;
	(xrf2) =	vadd.scan.msk.f32 $0xffff, v20;
	v52 =	vmul.f32 v31, v1;
	v48 =	vmul.f32 v62, v3  }
0x121: {  	v33 =	vadd.f32 v61, v60;
	(xrf2) =	vadd.scan.msk.f32 $0xffff, v26;
	v57 =	vmul.f32 v36, v0;
	v61 =	vmul.f32 v40, v2  }
0x122: {  	v58 =	vld [tilespmem:s10+$0x230];
	v55 =	vadd.f32 v50, v11;
	v62 =	vmul.f32 v43, v3;
	v3 =	vmul.f32 v49, v3;
	v54, _, _ =	vpop (xrf2);
	(xrf2) =	vadd.scan.msk.f32 $0xffff, v8  }
0x123: {  	v63 =	vld [tilespmem:s10+$0x270];
	v10 =	vadd.f32 v38, v37;
	v9 =	vadd.f32 v41, v9;
	v28 =	vmul.f32 v51, v1;
	v59, _, _ =	vpop (xrf2);
	(xrf2) =	vadd.scan.msk.f32 $0xffff, v4  }
0x124: {  	v1 =	vmul.f32 v53, v1;
	v13 =	vadd.f32 v48, v47;
	v25 =	vadd.f32 v56, v55;
	v24, _, _ =	vpop (xrf2);
	(xrf2) =	vadd.scan.msk.f32 $0xffff, v5  }
0x125: {  	v2 =	vmul.f32 v46, v2;
	v27 =	vadd.f32 v62, v61;
	v10 =	vadd.f32 v39, v10;
	v39 =	vld [tilespmem:$0x1FF20];
	v26, _, _ =	vpop (xrf2);
	(xrf2) =	vadd.scan.msk.f32 $0xffff, v7  }
0x126: {  	v30 =	vbroadcast v54, $0xF;
	v9 =	vadd.f32 v42, v9;
	v32 =	vbroadcast v59, $0xF;
	v29, _, _ =	vpop (xrf2);
	(xrf2) =	vadd.scan.msk.f32 $0xffff, v33  }
0x127: {  	v60 =	vadd.f32 v52, v13;
	v2 =	vadd.f32 v3, v2;
	v35 =	vbroadcast v24, $0xF;
	v31, _, _ =	vpop (xrf2);
	(xrf2) =	vadd.scan.msk.f32 $0xffff, v10  }
0x128: {  	v7 =	vadd.f32 v28, v27;
	v33 =	vmul.f32 v58, v0;
	v0 =	vmul.f32 v63, v0;
	v34, _, _ =	vpop (xrf2);
	(xrf2) =	vadd.scan.msk.f32 $0xffff, v9  }
0x129: {  	v3 =	vsel vm0, v30, v32;
	v4 =	vadd.f32 v57, v60;
	v1 =	vadd.f32 v1, v2;
	v36, _, _ =	vpop (xrf2);
	(xrf2) =	vadd.scan.msk.f32 $0xffff, v25  }
0x12a: {  	v38 =	vbroadcast v26, $0xF;
	v37 =	vadd.f32 v33, v7;
	vm15 =	vnez.u8 v39;
	v40, _, _ =	vpop (xrf2)  }
0x12b: {  	v41 =	vbroadcast v29, $0xF;
	v0 =	vadd.f32 v0, v1;
	v2 =	vsel vm15, v3, v35;
	(xrf2) =	vadd.scan.msk.f32 $0xffff, v4;
	v42, _, _ =	vpop (xrf2)  }
0x12c: {  	v43 =	vbroadcast v31, $0xF;
	v2 =	vsel vm3, v2, v38;
	(xrf2) =	vadd.scan.msk.f32 $0xffff, v37;
	v45, _, _ =	vpop (xrf2)  }
0x12d: {  	v44 =	vbroadcast v34, $0xF;
	v1 =	vsel vm4, v2, v41;
	(xrf2) =	vadd.scan.msk.f32 $0xffff, v0;
	v46, _, _ =	vpop (xrf2)  }
0x12e: {  	v47 =	vbroadcast v36, $0xF;
	v1 =	vsel vm5, v1, v43;
	v48, _, _ =	vpop (xrf2)  }
0x12f: {  	v49 =	vbroadcast v40, $0xF;
	v1 =	vsel vm6, v1, v44;
	v50, _, _ =	vpop (xrf2)  }
0x130: {  	v4 =	vbroadcast v42, $0xF;
	v1 =	vsel vm7, v1, v47;
	v51, _, _ =	vpop (xrf2)  }
0x131: {  	v52 =	vbroadcast v45, $0xF;
	v1 =	vsel vm8, v1, v49;
	v53, _, _ =	vpop (xrf2)  }
0x132: {  	vm15 =	vcmask $0x314;
	v0 =	vbroadcast v46, $0xF;
	v1 =	vsel vm9, v1, v4;
	v54, _, _ =	vpop (xrf2)  }
0x133: {  	v55 =	vbroadcast v48, $0xF;
	v1 =	vsel vm10, v1, v52;
	v56, _, _ =	vpop (xrf2);
	v57 =	vbroadcast v54, $0xF  }
0x134: {  	v59 =	vbroadcast v50, $0xF;
	v0 =	vsel vm11, v1, v0;
	v60 =	vbroadcast v56, $0xF  }
0x135: {  	v5 =	vbroadcast v51, $0xF;
	v58, _, _ =	vpop (xrf2);
	v0 =	vsel vm12, v0, v55;
	v1 =	vnsel vm0, $0x0, v57  }
0x136: {  	p0 =	sne.s32 s0, $0x1F00;
	v61, _, _ =	vpop (xrf2);
	v4 =	vbroadcast v58, $0xF;
	v0 =	vsel vm13, v0, v59;
	v1 =	vsel vm15, v1, v60  }
.Ltmp1:
0x137: {  	v62 =	vbroadcast v61, $0xF;
	v63, _, _ =	vpop (xrf2);
	v0 =	vsel vm14, v0, v5;
	vm15 =	vcmask $0x714;
	(pc) =	sbr.rel @p0 .LBB2_5-.Ltmp1, $4  }
0x138: {  	v1 =	vsel vm15, v1, v4;
	v3 =	vbroadcast v63, $0xF;
	vm15 =	vcmask $0xB14  }
0x139: {  	v0 =	vsel vm2, v0, v53;
	v1 =	vsel vm15, v1, v62  }
0x13a: {  	[tilespmem:s1+$0xFFFFFFF0] =	vst v0;
	v1 =	vsel vm1, v1, v3  }
0x13b: {  	s0 =	sadd.s32 $0x100, s0;
	s10 =	sadd.s32 $0x500, s10;
	[tilespmem:s1+$0x0] =	vst v1;
	s1 =	sadd.s32 $0x20, s1  }
0x13c: {  	s30 =	sadd.s32 $0x1, s30  }
0x13d: {  	s0 =	sshll.u32 s31, $0x7;
	p0 =	sne.s32 s30, $0x8  }
.Ltmp2:
0x13e: {  	s0 =	sadd.s32 s0, s8;
	(pc) =	sbr.rel @p0 .LBB2_2-.Ltmp2, $4  }
0x13f: {  	[hbm4b:s0+s2] =	stream.linear.scatter [tilespmem:s23], [sflag:$0x7], $0x400, $0x38;
	[tilespmem:$0x19000] =	vst v63  }
0x140: {  	_ =	swait.ge [sflag:s24], $0x400  }
0x141: {  	[sflag:s24] =	ssyncset.done $0x0  }
0x142: {  	[sflag:s24] =	ssyncadd.s32 $0xFFFFFC00  }
0x143: {  	_ =	swait.ge [sflag:s12], $0x800  }
0x144: {  	[sflag:s12] =	ssyncset.done $0x0  }
0x145: {  	s29 =	sadd.s32 $0x1, s29;
	[sflag:s12] =	ssyncadd.s32 $0xFFFFF800  }
0x146: {  	p0 =	sne.s32 s29, s9;
	_ =	swait.ge [sflag:s13], $0x800  }
.Ltmp3:
0x147: {  	[sflag:s13] =	ssyncset.done $0x0;
	(pc) =	sbr.rel @p0 .LBB2_1-.Ltmp3, $4  }
0x148: {  	[sflag:s13] =	ssyncadd.s32 $0xFFFFF800  }
0x149: {  	_ =	swait.ge [sflag:s14], $0xA000  }
0x14a: {  	[sflag:s14] =	ssyncset.done $0x0  }
0x14b: {  	[sflag:s14] =	ssyncadd.s32 $0xFFFF6000  }
0x14c: {  	_ =	sfence.sel $0x180000  }
0x14d: {  	[bflag:$0x0] =	sbarrier.arrive $0xFFFF  }
0x14e: {  	_ =	strace $0x90000047  }
0x14f: {  	s0 =	stileid.u32;
	[bflag:$0x2] =	sbarrier.arrive $0xFFFF  }
0x150: {  	p0 =	sne.s32 s0, $0x0;
	s0 =	rddreg [dreg:$0x3]  }
0x151: {  	s0 =	sadd.s32 @!p0 $0x100000, s0  }
0x152: {  	[sflag:s0] =	ssyncadd.tile.s32 @!p0 $0x1;
	_ =	shalt  }
.Lfunc_end2:
_tile_overlayer_lowered:
.L_overlay_start_2:
0x153: {  	(tag) =	ssettag $0x2  }
0x154: {  	s0 =	rddreg [dreg:$0x0];
	s2 =	stileid.u32  }
0x155: {  	s1 =	rddreg [dreg:$0x1];
	p0 =	sne.s32 s2, $0x0  }
0x156: {  	s3 =	rddreg [dreg:$0x2];
	[bflag:$0x3] =	sbarrier.arrive $0xFFFF;
	s2 =	simm.s32 @!p0 $0x1C07  }
0x157: {  	[timem:s3], [sflag:s2] =	dma.local @!p0 [hbm:s0], s1  }
0x158: {  	s0 =	simm.s32 @!p0 $0x7  }
0x159: {  	_ =	swait.ge @!p0 [sflag:s0], s1  }
0x15a: {  	s1 =	ssub.s32 @!p0 $0x0, s1;
	[sflag:s0] =	ssyncset.done @!p0 $0x0  }
0x15b: {  	[sflag:s0] =	ssyncadd.s32 @!p0 s1  }
0x15c: {  	[bflag:$0x3] =	sbarrier.arrive $0xFFFF  }
0x15d: {  	_ =	shalt  }

</sc_bundles>
